<compile_context>
chip_gen: v7x
topology: tpu7x:2x2x1
jax: 0.10.2.dev20260603
libtpu: 0.0.44.dev20260713+nightly
codegen_flags: <defaults>
</compile_context>

<pallas_src>
import functools

import jax
import jax.numpy as jnp
from jax import lax
from jax.experimental import pallas as pl
from jax.experimental.pallas import tpu as pltpu
from jax.experimental.pallas import tpu_sc as plsc

_NC = 2
_NS = 16


def _sc_segment_acc(dst, segment_ids, n_nodes, width):
    e = segment_ids.shape[0]
    nw = _NC * _NS
    epw = e // nw
    c = 40
    iters = epw // c
    wrows = (n_nodes // (8 * _NS)) * 8
    wchunk = 24
    tail = n_nodes - _NS * wrows
    zc_stripe = -(-n_nodes // (_NS * 16)) * 16
    zc_last = n_nodes - (_NS - 1) * zc_stripe
    assert zc_last > 0 and zc_last % 16 == 0
    with_rows = dst is not None

    mesh = plsc.VectorSubcoreMesh(core_axis_name="c", subcore_axis_name="s")

    @functools.partial(
        pl.kernel,
        mesh=mesh,
        out_type=jax.ShapeDtypeStruct((_NC, n_nodes, width), jnp.float32),
        scratch_types=[
            pltpu.VMEM((c,), jnp.int32),
            pltpu.VMEM((c, width), jnp.float32),
            pltpu.VMEM((16, width), jnp.float32),
            pltpu.VMEM((16,), jnp.int32),
            pltpu.VMEM((wchunk, width), jnp.float32),
            pltpu.VMEM_SHARED((n_nodes, width), jnp.float32),
        ],
    )
    def k(*refs):
        if with_rows:
            (dst_hbm, seg_hbm, out_hbm,
             idx_v, rows_v, zrows_v, idx16_v, bnc_v, acc_sh) = refs
        else:
            (seg_hbm, out_hbm,
             idx_v, rows_v, zrows_v, idx16_v, bnc_v, acc_sh) = refs
        cid = lax.axis_index("c")
        sid = lax.axis_index("s")
        wid = cid * _NS + sid
        iota = lax.iota(jnp.int32, 16)

        def fill_z(i, carry):
            zrows_v[i // (width // 16), pl.ds((i % (width // 16)) * 16, 16)] \
                = jnp.zeros((16,), jnp.float32)
            return carry
        lax.fori_loop(0, 16 * (width // 16), fill_z, 0)

        if not with_rows:
            def fill_one(i, carry):
                rows_v[i // (width // 16),
                       pl.ds((i % (width // 16)) * 16, 16)] = (
                    jnp.ones((16,), jnp.float32))
                return carry
            lax.fori_loop(0, c * (width // 16), fill_one, 0)

        def zero_op(j, carry):
            idx16_v[...] = sid * zc_stripe + j * 16 + iota
            pltpu.sync_copy(zrows_v, acc_sh.at[idx16_v])
            return carry
        nops = lax.select(sid == _NS - 1, zc_last // 16, zc_stripe // 16)
        lax.fori_loop(0, nops, zero_op, 0)
        plsc.subcore_barrier()

        ebase = wid * epw

        def step(i, carry):
            base = ebase + i * c
            pltpu.sync_copy(seg_hbm.at[pl.ds(base, c)], idx_v)
            if with_rows:
                pltpu.sync_copy(dst_hbm.at[pl.ds(base, c)], rows_v)
            pltpu.sync_copy(rows_v, acc_sh.at[idx_v], add=True)
            return carry
        lax.fori_loop(0, iters, step, 0)
        plsc.subcore_barrier()

        def wr_blk(j, carry):
            base = sid * wrows + j * wchunk
            pltpu.sync_copy(acc_sh.at[pl.ds(base, wchunk)], bnc_v)
            pltpu.sync_copy(bnc_v, out_hbm.at[cid, pl.ds(base, wchunk)])
            return carry
        lax.fori_loop(0, wrows // wchunk, wr_blk, 0)

        @pl.when(sid == _NS - 1)
        def _():
            tb = _NS * wrows
            pltpu.sync_copy(acc_sh.at[pl.ds(tb, tail)],
                            bnc_v.at[pl.ds(0, tail)])
            pltpu.sync_copy(bnc_v.at[pl.ds(0, tail)],
                            out_hbm.at[cid, pl.ds(tb, tail)])

    if with_rows:
        return k(dst, segment_ids)
    return k(segment_ids)


def _tc_finish(sums, cnts, src, w, b2d):
    n, d = src.shape
    u = w.shape[1]
    bn = 400

    def body(s_ref, c_ref, x_ref, w_ref, b_ref, o_ref):
        s = s_ref[0] + s_ref[1]
        cnt = c_ref[0, :, 0:1] + c_ref[1, :, 0:1]
        x = s / jnp.maximum(cnt, 1.0) + x_ref[...]
        o_ref[...] = (
            jnp.dot(x, w_ref[...], preferred_element_type=jnp.float32)
            + b_ref[...])

    return pl.pallas_call(
        body,
        grid=(n // bn,),
        in_specs=[
            pl.BlockSpec((_NC, bn, d), lambda i: (0, i, 0)),
            pl.BlockSpec((_NC, bn, d), lambda i: (0, i, 0)),
            pl.BlockSpec((bn, d), lambda i: (i, 0)),
            pl.BlockSpec((d, u), lambda i: (0, 0)),
            pl.BlockSpec((1, u), lambda i: (0, 0)),
        ],
        out_specs=pl.BlockSpec((bn, u), lambda i: (i, 0)),
        out_shape=jax.ShapeDtypeStruct((n, u), jnp.float32),
    )(sums, cnts, src, w, b2d)


def kernel(src, edge_index, dst, segment_ids, W, b):
    n = src.shape[0]
    sums = _sc_segment_acc(dst, segment_ids, n, dst.shape[1])
    cnts = _sc_segment_acc(None, segment_ids, n, dst.shape[1])
    return _tc_finish(sums, cnts, src, W, b.reshape(1, -1))

# --- scband reference (transcript-rebuilt; emitter-appended) ---
"""Pipeline reference for scband-gcnconv-69080253988962 (READ-ONLY COPY).

The authoritative reference and input builder live on the scoring server;
editing this copy changes nothing except your own understanding.
"""

import jax, jax.numpy as jnp
import numpy as np

N = 10000
E = 320000
D = 128
U = 128


def setup_inputs(seed: int = 0) -> dict:
    key = jax.random.key(seed)
    k1, k2, k3, k4, k5 = jax.random.split(key, 5)
    src = jax.random.normal(k1, (N, D), dtype=jnp.float32)
    dst = jax.random.normal(k2, (E, D), dtype=jnp.float32)
    edge_index = jax.random.randint(k3, (2, E), 0, N, dtype=jnp.int32)
    segment_ids = jnp.sort(jax.random.randint(k4, (E,), 0, N, dtype=jnp.int32))
    W = jax.random.normal(k5, (D, U), dtype=jnp.float32) * 0.05
    b = jnp.zeros((U,), dtype=jnp.float32)
    return {"src": src, "edge_index": edge_index, "dst": dst, "segment_ids": segment_ids, "W": W, "b": b}


def reference(src, edge_index, dst, segment_ids, W, b):
    # tf.math.segment_mean(dst, segment_ids) -> mean of edge features per dst node
    seg_sum = jax.ops.segment_sum(dst, segment_ids, num_segments=N)
    counts = jax.ops.segment_sum(jnp.ones((dst.shape[0],), dtype=dst.dtype), segment_ids, num_segments=N)
    seg_mean = seg_sum / jnp.maximum(counts, 1.0)[:, None]
    # add_self_loop=True: x = seg_mean + src
    x = seg_mean + src
    # Dense(units, activation=None, use_bias=True)
    out = x @ W + b
    return out

if __name__ == "__main__":
    import jax
    _d = setup_inputs()
    print(jax.jit(kernel)(*tuple(_d.values())))

</pallas_src>

<mosaic_0001>
#map = affine_map<(d0, d1) -> (0, 0)>
#map1 = affine_map<(d0, d1) -> (0)>
#map2 = affine_map<(d0, d1) -> (0, 0, 0)>
module attributes {stable_mosaic.version = 14 : i64} {
  func.func @k(%arg0: i32, %arg1: i32, %arg2: memref<320000x128xf32, #tpu.memory_space<hbm>>, %arg3: memref<320000xi32, #tpu.memory_space<hbm>>, %arg4: memref<2x10000x128xf32, #tpu.memory_space<hbm>>, %arg5: memref<40xi32, #tpu.memory_space<vmem>>, %arg6: memref<40x128xf32, #tpu.memory_space<vmem>>, %arg7: memref<16x128xf32, #tpu.memory_space<vmem>>, %arg8: memref<16xi32, #tpu.memory_space<vmem>>, %arg9: memref<24x128xf32, #tpu.memory_space<vmem>>, %arg10: memref<10000x128xf32, #tpu.memory_space<vmem_shared>>) attributes {dimension_semantics = [#tpu.dimension_semantics<core_parallel>, #tpu.dimension_semantics<subcore_parallel>], iteration_bounds = array<i64: 2, 16>, scalar_prefetch = 0 : i64, scratch_operands = 6 : i64, tpu.core_type = #tpu.core_type<sc_vector_subcore>, window_params = [{transform_indices = #map}, {transform_indices = #map1}, {transform_indices = #map2}]} {
    %mul3A = arith.constant 16 : i32
    %mul3A_0 = arith.muli %arg0, %mul3A : i32
    %add3A = arith.addi %mul3A_0, %arg1 : i32
    %iota3A = tpu.iota {dimensions = array<i32: 0>} : vector<16xi32>
    %scan3A = arith.constant 0 : i32
    %scan3A_1 = arith.constant 0 : i32
    %scan3A_2 = arith.constant 128 : i32
    %scan3A_3 = arith.addi %scan3A_1, %scan3A_2 : i32
    %scan3A_4 = arith.constant 1 : i32
    scf.for %scan3A_36 = %scan3A_1 to %scan3A_3 step %scan3A_4  : i32 {
      %broadcast_in_dim3A = arith.constant 0.000000e+00 : f32
      %broadcast_in_dim3A_37 = vector.broadcast %broadcast_in_dim3A : f32 to vector<16xf32>
      %jit3A = arith.constant 8 : i32
      %div3A = arith.divsi %scan3A_36, %jit3A : i32
      %sign3A = arith.constant 0 : i32
      %sign3A_38 = arith.cmpi sgt, %scan3A_36, %sign3A : i32
      %sign3A_39 = arith.extui %sign3A_38 : i1 to i32
      %sign3A_40 = arith.constant 0 : i32
      %sign3A_41 = arith.cmpi slt, %scan3A_36, %sign3A_40 : i32
      %sign3A_42 = arith.extui %sign3A_41 : i1 to i32
      %sign3A_43 = arith.subi %sign3A_39, %sign3A_42 : i32
      %sign3A_44 = arith.constant 0 : i32
      %sign3A_45 = arith.cmpi sgt, %jit3A, %sign3A_44 : i32
      %sign3A_46 = arith.extui %sign3A_45 : i1 to i32
      %sign3A_47 = arith.constant 0 : i32
      %sign3A_48 = arith.cmpi slt, %jit3A, %sign3A_47 : i32
      %sign3A_49 = arith.extui %sign3A_48 : i1 to i32
      %sign3A_50 = arith.subi %sign3A_46, %sign3A_49 : i32
      %ne3A = arith.cmpi ne, %sign3A_43, %sign3A_50 : i32
      %rem3A = arith.remsi %scan3A_36, %jit3A : i32
      %ne3A_51 = arith.constant 0 : i32
      %ne3A_52 = arith.cmpi ne, %rem3A, %ne3A_51 : i32
      %and3A = arith.andi %ne3A, %ne3A_52 : i1
      %sub3A = arith.constant 1 : i32
      %sub3A_53 = arith.subi %div3A, %sub3A : i32
      %select_n3A_54 = arith.select %and3A, %sub3A_53, %div3A : i32
      %jit3A_55 = arith.constant 8 : i32
      %eq3A_56 = arith.constant 0 : i32
      %eq3A_57 = arith.cmpi eq, %jit3A_55, %eq3A_56 : i32
      %jit3A_58 = arith.constant 1 : i32
      %select_n3A_59 = arith.select %eq3A_57, %jit3A_58, %jit3A_55 : i32
      %rem3A_60 = arith.remsi %scan3A_36, %select_n3A_59 : i32
      %ne3A_61 = arith.constant 0 : i32
      %ne3A_62 = arith.cmpi ne, %rem3A_60, %ne3A_61 : i32
      %lt3A = arith.constant 0 : i32
      %lt3A_63 = arith.cmpi slt, %rem3A_60, %lt3A : i32
      %lt3A_64 = arith.constant 0 : i32
      %lt3A_65 = arith.cmpi slt, %select_n3A_59, %lt3A_64 : i32
      %ne3A_66 = arith.xori %lt3A_63, %lt3A_65 : i1
      %and3A_67 = arith.andi %ne3A_66, %ne3A_62 : i1
      %add3A_68 = arith.addi %rem3A_60, %select_n3A_59 : i32
      %select_n3A_69 = arith.select %and3A_67, %add3A_68, %rem3A_60 : i32
      %mul3A_70 = arith.constant 16 : i32
      %mul3A_71 = arith.muli %select_n3A_69, %mul3A_70 : i32
      %swap3A = arith.index_cast %select_n3A_54 : i32 to index
      %swap3A_72 = arith.index_cast %mul3A_71 : i32 to index
      %swap3A_73 = tpu.vector_load %arg7[%swap3A, %swap3A_72] {strides = array<i32>} : memref<16x128xf32, #tpu.memory_space<vmem>>, vector<1x16xf32>,
      %swap3A_74 = vector.shape_cast %swap3A_73 : vector<1x16xf32> to vector<16xf32>
      %swap3A_75 = vector.shape_cast %broadcast_in_dim3A_37 : vector<16xf32> to vector<1x16xf32>
      tpu.vector_store %arg7[%swap3A, %swap3A_72], %swap3A_75 {strides = array<i32>} : memref<16x128xf32, #tpu.memory_space<vmem>>, vector<1x16xf32>,
    }
    %scan3A_5 = arith.constant 128 : i32
    %eq3A = arith.constant 15 : i32
    %eq3A_6 = arith.cmpi eq, %arg1, %eq3A : i32
    %select_n3A = arith.constant 40 : i32
    %select_n3A_7 = arith.constant 25 : i32
    %select_n3A_8 = arith.select %eq3A_6, %select_n3A_7, %select_n3A : i32
    %while3A = arith.constant 0 : i32
    %while3A_9 = arith.constant 0 : i32
    %while3A_10 = arith.subi %select_n3A_8, %while3A_9 : i32
    %while3A_11 = arith.addi %while3A_9, %while3A_10 : i32
    %while3A_12 = arith.constant 1 : i32
    %while3A_13 = arith.divsi %while3A_10, %while3A_12 : i32
    %while3A_14 = arith.muli %while3A_13, %while3A_12 : i32
    %while3A_15 = arith.addi %while3A_9, %while3A_14 : i32
    %while3A_16 = arith.constant 1 : i32
    scf.for %while3A_36 = %while3A_9 to %while3A_15 step %while3A_16  : i32 {
      %mul3A_37 = arith.constant 640 : i32
      %mul3A_38 = arith.muli %arg1, %mul3A_37 : i32
      %mul3A_39 = arith.constant 16 : i32
      %mul3A_40 = arith.muli %while3A_36, %mul3A_39 : i32
      %add3A_41 = arith.addi %mul3A_38, %mul3A_40 : i32
      %add3A_42 = vector.broadcast %add3A_41 : i32 to vector<16xi32>
      %add3A_43 = arith.addi %add3A_42, %iota3A : vector<16xi32>
      %swap3A = arith.constant 0 : index
      %swap3A_44 = tpu.vector_load %arg8[%swap3A] {strides = array<i32>} : memref<16xi32, #tpu.memory_space<vmem>>, vector<16xi32>,
      %swap3A_45 = vector.shape_cast %swap3A_44 : vector<16xi32> to vector<16xi32>
      %swap3A_46 = vector.shape_cast %add3A_43 : vector<16xi32> to vector<16xi32>
      tpu.vector_store %arg8[%swap3A], %swap3A_46 {strides = array<i32>} : memref<16xi32, #tpu.memory_space<vmem>>, vector<16xi32>,
      "tpu.region"() ({
        %run_scoped3A = tpu.sem_alloc : memref<!tpu.dma_semaphore, #tpu.memory_space<semaphore_mem>>
        %dma_start3A = arith.constant 0 : i32
        %dma_start3A_47 = arith.constant 0 : i32
        %dma_start3A_48 = tpu.memref_slice %arg10[%dma_start3A, %dma_start3A_47] : memref<10000x128xf32, #tpu.memory_space<vmem_shared>> -> memref<10000x128xf32, #tpu.memory_space<vmem_shared>>
        tpu.enqueue_indirect_dma source(%arg7 : memref<16x128xf32, #tpu.memory_space<vmem>>) target(%dma_start3A_48 : memref<10000x128xf32, #tpu.memory_space<vmem_shared>>) offsets(%arg8 : memref<16xi32, #tpu.memory_space<vmem>>) semaphore(%run_scoped3A : memref<!tpu.dma_semaphore, #tpu.memory_space<semaphore_mem>>)
        %dma_wait3A = arith.constant 0 : i32
        %dma_wait3A_49 = arith.constant 0 : i32
        %dma_wait3A_50 = tpu.memref_slice %arg10[%dma_wait3A, %dma_wait3A_49] : memref<10000x128xf32, #tpu.memory_space<vmem_shared>> -> memref<10000x128xf32, #tpu.memory_space<vmem_shared>>
        tpu.wait_indirect_dma semaphore(%run_scoped3A : memref<!tpu.dma_semaphore, #tpu.memory_space<semaphore_mem>>) src(%arg7 : memref<16x128xf32, #tpu.memory_space<vmem>>) dst(%dma_wait3A_50 : memref<10000x128xf32, #tpu.memory_space<vmem_shared>>)
        tpu.yield
      }) : () -> ()
    }
    %while3A_17 = arith.constant 1 : i32
    scf.for %while3A_36 = %while3A_15 to %while3A_11 step %while3A_17  : i32 {
      %mul3A_37 = arith.constant 640 : i32
      %mul3A_38 = arith.muli %arg1, %mul3A_37 : i32
      %mul3A_39 = arith.constant 16 : i32
      %mul3A_40 = arith.muli %while3A_36, %mul3A_39 : i32
      %add3A_41 = arith.addi %mul3A_38, %mul3A_40 : i32
      %add3A_42 = vector.broadcast %add3A_41 : i32 to vector<16xi32>
      %add3A_43 = arith.addi %add3A_42, %iota3A : vector<16xi32>
      %swap3A = arith.constant 0 : index
      %swap3A_44 = tpu.vector_load %arg8[%swap3A] {strides = array<i32>} : memref<16xi32, #tpu.memory_space<vmem>>, vector<16xi32>,
      %swap3A_45 = vector.shape_cast %swap3A_44 : vector<16xi32> to vector<16xi32>
      %swap3A_46 = vector.shape_cast %add3A_43 : vector<16xi32> to vector<16xi32>
      tpu.vector_store %arg8[%swap3A], %swap3A_46 {strides = array<i32>} : memref<16xi32, #tpu.memory_space<vmem>>, vector<16xi32>,
      "tpu.region"() ({
        %run_scoped3A = tpu.sem_alloc : memref<!tpu.dma_semaphore, #tpu.memory_space<semaphore_mem>>
        %dma_start3A = arith.constant 0 : i32
        %dma_start3A_47 = arith.constant 0 : i32
        %dma_start3A_48 = tpu.memref_slice %arg10[%dma_start3A, %dma_start3A_47] : memref<10000x128xf32, #tpu.memory_space<vmem_shared>> -> memref<10000x128xf32, #tpu.memory_space<vmem_shared>>
        tpu.enqueue_indirect_dma source(%arg7 : memref<16x128xf32, #tpu.memory_space<vmem>>) target(%dma_start3A_48 : memref<10000x128xf32, #tpu.memory_space<vmem_shared>>) offsets(%arg8 : memref<16xi32, #tpu.memory_space<vmem>>) semaphore(%run_scoped3A : memref<!tpu.dma_semaphore, #tpu.memory_space<semaphore_mem>>)
        %dma_wait3A = arith.constant 0 : i32
        %dma_wait3A_49 = arith.constant 0 : i32
        %dma_wait3A_50 = tpu.memref_slice %arg10[%dma_wait3A, %dma_wait3A_49] : memref<10000x128xf32, #tpu.memory_space<vmem_shared>> -> memref<10000x128xf32, #tpu.memory_space<vmem_shared>>
        tpu.wait_indirect_dma semaphore(%run_scoped3A : memref<!tpu.dma_semaphore, #tpu.memory_space<semaphore_mem>>) src(%arg7 : memref<16x128xf32, #tpu.memory_space<vmem>>) dst(%dma_wait3A_50 : memref<10000x128xf32, #tpu.memory_space<vmem_shared>>)
        tpu.yield
      }) : () -> ()
    }
    %barrier3A = arith.constant 0 : index
    tpu.barrier barrier_id(%barrier3A)
    %mul3A_18 = arith.constant 10000 : i32
    %mul3A_19 = arith.muli %add3A, %mul3A_18 : i32
    %scan3A_20 = arith.constant 0 : i32
    %scan3A_21 = arith.constant 0 : i32
    %scan3A_22 = arith.constant 250 : i32
    %scan3A_23 = arith.addi %scan3A_21, %scan3A_22 : i32
    %scan3A_24 = arith.constant 1 : i32
    scf.for %scan3A_36 = %scan3A_21 to %scan3A_23 step %scan3A_24  : i32 {
      %mul3A_37 = arith.constant 40 : i32
      %mul3A_38 = arith.muli %scan3A_36, %mul3A_37 : i32
      %add3A_39 = arith.addi %mul3A_19, %mul3A_38 : i32
      "tpu.region"() ({
        %run_scoped3A = tpu.sem_alloc : memref<!tpu.dma_semaphore, #tpu.memory_space<semaphore_mem>>
        %dma_start3A = tpu.memref_slice %arg3[%add3A_39] : memref<320000xi32, #tpu.memory_space<hbm>> -> memref<40xi32, #tpu.memory_space<hbm>>
        %dma_start3A_40 = tpu.memref_slice %arg3[%add3A_39] : memref<320000xi32, #tpu.memory_space<hbm>> -> memref<40xi32, #tpu.memory_space<hbm>>
        tpu.enqueue_dma source(%dma_start3A_40 : memref<40xi32, #tpu.memory_space<hbm>>) target(%arg5 : memref<40xi32, #tpu.memory_space<vmem>>) target_semaphore(%run_scoped3A : memref<!tpu.dma_semaphore, #tpu.memory_space<semaphore_mem>>)
        %dma_wait3A = tpu.memref_slice %arg3[%add3A_39] : memref<320000xi32, #tpu.memory_space<hbm>> -> memref<40xi32, #tpu.memory_space<hbm>>
        %dma_wait3A_41 = tpu.memref_slice %arg3[%add3A_39] : memref<320000xi32, #tpu.memory_space<hbm>> -> memref<40xi32, #tpu.memory_space<hbm>>
        tpu.wait_dma2 semaphore(%run_scoped3A : memref<!tpu.dma_semaphore, #tpu.memory_space<semaphore_mem>>) src(%dma_wait3A_41 : memref<40xi32, #tpu.memory_space<hbm>>) dst(%arg5 : memref<40xi32, #tpu.memory_space<vmem>>)
        tpu.yield
      }) : () -> ()
      "tpu.region"() ({
        %run_scoped3A = tpu.sem_alloc : memref<!tpu.dma_semaphore, #tpu.memory_space<semaphore_mem>>
        %dma_start3A = arith.constant 0 : i32
        %dma_start3A_40 = tpu.memref_slice %arg2[%add3A_39, %dma_start3A] : memref<320000x128xf32, #tpu.memory_space<hbm>> -> memref<40x128xf32, #tpu.memory_space<hbm>>
        %dma_start3A_41 = arith.constant 0 : i32
        %dma_start3A_42 = tpu.memref_slice %arg2[%add3A_39, %dma_start3A_41] : memref<320000x128xf32, #tpu.memory_space<hbm>> -> memref<40x128xf32, #tpu.memory_space<hbm>>
        tpu.enqueue_dma source(%dma_start3A_42 : memref<40x128xf32, #tpu.memory_space<hbm>>) target(%arg6 : memref<40x128xf32, #tpu.memory_space<vmem>>) target_semaphore(%run_scoped3A : memref<!tpu.dma_semaphore, #tpu.memory_space<semaphore_mem>>)
        %dma_wait3A = arith.constant 0 : i32
        %dma_wait3A_43 = tpu.memref_slice %arg2[%add3A_39, %dma_wait3A] : memref<320000x128xf32, #tpu.memory_space<hbm>> -> memref<40x128xf32, #tpu.memory_space<hbm>>
        %dma_wait3A_44 = arith.constant 0 : i32
        %dma_wait3A_45 = tpu.memref_slice %arg2[%add3A_39, %dma_wait3A_44] : memref<320000x128xf32, #tpu.memory_space<hbm>> -> memref<40x128xf32, #tpu.memory_space<hbm>>
        tpu.wait_dma2 semaphore(%run_scoped3A : memref<!tpu.dma_semaphore, #tpu.memory_space<semaphore_mem>>) src(%dma_wait3A_45 : memref<40x128xf32, #tpu.memory_space<hbm>>) dst(%arg6 : memref<40x128xf32, #tpu.memory_space<vmem>>)
        tpu.yield
      }) : () -> ()
      "tpu.region"() ({
        %run_scoped3A = tpu.sem_alloc : memref<!tpu.dma_semaphore, #tpu.memory_space<semaphore_mem>>
        %dma_start3A = arith.constant 0 : i32
        %dma_start3A_40 = arith.constant 0 : i32
        %dma_start3A_41 = tpu.memref_slice %arg10[%dma_start3A, %dma_start3A_40] : memref<10000x128xf32, #tpu.memory_space<vmem_shared>> -> memref<10000x128xf32, #tpu.memory_space<vmem_shared>>
        tpu.enqueue_indirect_dma source(%arg6 : memref<40x128xf32, #tpu.memory_space<vmem>>) target(%dma_start3A_41 : memref<10000x128xf32, #tpu.memory_space<vmem_shared>>) offsets(%arg5 : memref<40xi32, #tpu.memory_space<vmem>>) semaphore(%run_scoped3A : memref<!tpu.dma_semaphore, #tpu.memory_space<semaphore_mem>>) {add = true}
        %dma_wait3A = arith.constant 0 : i32
        %dma_wait3A_42 = arith.constant 0 : i32
        %dma_wait3A_43 = tpu.memref_slice %arg10[%dma_wait3A, %dma_wait3A_42] : memref<10000x128xf32, #tpu.memory_space<vmem_shared>> -> memref<10000x128xf32, #tpu.memory_space<vmem_shared>>
        tpu.wait_indirect_dma semaphore(%run_scoped3A : memref<!tpu.dma_semaphore, #tpu.memory_space<semaphore_mem>>) src(%arg6 : memref<40x128xf32, #tpu.memory_space<vmem>>) dst(%dma_wait3A_43 : memref<10000x128xf32, #tpu.memory_space<vmem_shared>>)
        tpu.yield
      }) : () -> ()
    }
    %scan3A_25 = arith.constant 250 : i32
    %barrier3A_26 = arith.constant 0 : index
    tpu.barrier barrier_id(%barrier3A_26)
    %scan3A_27 = arith.constant 0 : i32
    %scan3A_28 = arith.constant 0 : i32
    %scan3A_29 = arith.constant 26 : i32
    %scan3A_30 = arith.addi %scan3A_28, %scan3A_29 : i32
    %scan3A_31 = arith.constant 1 : i32
    scf.for %scan3A_36 = %scan3A_28 to %scan3A_30 step %scan3A_31  : i32 {
      %mul3A_37 = arith.constant 624 : i32
      %mul3A_38 = arith.muli %arg1, %mul3A_37 : i32
      %mul3A_39 = arith.constant 24 : i32
      %mul3A_40 = arith.muli %scan3A_36, %mul3A_39 : i32
      %add3A_41 = arith.addi %mul3A_38, %mul3A_40 : i32
      "tpu.region"() ({
        %run_scoped3A = tpu.sem_alloc : memref<!tpu.dma_semaphore, #tpu.memory_space<semaphore_mem>>
        %dma_start3A = arith.constant 0 : i32
        %dma_start3A_42 = tpu.memref_slice %arg10[%add3A_41, %dma_start3A] : memref<10000x128xf32, #tpu.memory_space<vmem_shared>> -> memref<24x128xf32, #tpu.memory_space<vmem_shared>>
        %dma_start3A_43 = arith.constant 0 : i32
        %dma_start3A_44 = tpu.memref_slice %arg10[%add3A_41, %dma_start3A_43] : memref<10000x128xf32, #tpu.memory_space<vmem_shared>> -> memref<24x128xf32, #tpu.memory_space<vmem_shared>>
        tpu.enqueue_dma source(%dma_start3A_44 : memref<24x128xf32, #tpu.memory_space<vmem_shared>>) target(%arg9 : memref<24x128xf32, #tpu.memory_space<vmem>>) target_semaphore(%run_scoped3A : memref<!tpu.dma_semaphore, #tpu.memory_space<semaphore_mem>>)
        %dma_wait3A = arith.constant 0 : i32
        %dma_wait3A_45 = tpu.memref_slice %arg10[%add3A_41, %dma_wait3A] : memref<10000x128xf32, #tpu.memory_space<vmem_shared>> -> memref<24x128xf32, #tpu.memory_space<vmem_shared>>
        %dma_wait3A_46 = arith.constant 0 : i32
        %dma_wait3A_47 = tpu.memref_slice %arg10[%add3A_41, %dma_wait3A_46] : memref<10000x128xf32, #tpu.memory_space<vmem_shared>> -> memref<24x128xf32, #tpu.memory_space<vmem_shared>>
        tpu.wait_dma2 semaphore(%run_scoped3A : memref<!tpu.dma_semaphore, #tpu.memory_space<semaphore_mem>>) src(%dma_wait3A_47 : memref<24x128xf32, #tpu.memory_space<vmem_shared>>) dst(%arg9 : memref<24x128xf32, #tpu.memory_space<vmem>>)
        tpu.yield
      }) : () -> ()
      "tpu.region"() ({
        %run_scoped3A = tpu.sem_alloc : memref<!tpu.dma_semaphore, #tpu.memory_space<semaphore_mem>>
        %dma_start3A = arith.constant 0 : i32
        %dma_start3A_42 = tpu.memref_slice %arg4[%arg0, %add3A_41, %dma_start3A] : memref<2x10000x128xf32, #tpu.memory_space<hbm>> -> memref<1x24x128xf32, #tpu.memory_space<hbm>>
        %dma_start3A_43 = tpu.memref_squeeze %dma_start3A_42 : memref<1x24x128xf32, #tpu.memory_space<hbm>> -> memref<24x128xf32, #tpu.memory_space<hbm>>
        %dma_start3A_44 = arith.constant 0 : i32
        %dma_start3A_45 = tpu.memref_slice %arg4[%arg0, %add3A_41, %dma_start3A_44] : memref<2x10000x128xf32, #tpu.memory_space<hbm>> -> memref<1x24x128xf32, #tpu.memory_space<hbm>>
        %dma_start3A_46 = tpu.memref_squeeze %dma_start3A_45 : memref<1x24x128xf32, #tpu.memory_space<hbm>> -> memref<24x128xf32, #tpu.memory_space<hbm>>
        tpu.enqueue_dma source(%arg9 : memref<24x128xf32, #tpu.memory_space<vmem>>) target(%dma_start3A_46 : memref<24x128xf32, #tpu.memory_space<hbm>>) target_semaphore(%run_scoped3A : memref<!tpu.dma_semaphore, #tpu.memory_space<semaphore_mem>>)
        %dma_wait3A = arith.constant 0 : i32
        %dma_wait3A_47 = tpu.memref_slice %arg4[%arg0, %add3A_41, %dma_wait3A] : memref<2x10000x128xf32, #tpu.memory_space<hbm>> -> memref<1x24x128xf32, #tpu.memory_space<hbm>>
        %dma_wait3A_48 = tpu.memref_squeeze %dma_wait3A_47 : memref<1x24x128xf32, #tpu.memory_space<hbm>> -> memref<24x128xf32, #tpu.memory_space<hbm>>
        %dma_wait3A_49 = arith.constant 0 : i32
        %dma_wait3A_50 = tpu.memref_slice %arg4[%arg0, %add3A_41, %dma_wait3A_49] : memref<2x10000x128xf32, #tpu.memory_space<hbm>> -> memref<1x24x128xf32, #tpu.memory_space<hbm>>
        %dma_wait3A_51 = tpu.memref_squeeze %dma_wait3A_50 : memref<1x24x128xf32, #tpu.memory_space<hbm>> -> memref<24x128xf32, #tpu.memory_space<hbm>>
        tpu.wait_dma2 semaphore(%run_scoped3A : memref<!tpu.dma_semaphore, #tpu.memory_space<semaphore_mem>>) src(%arg9 : memref<24x128xf32, #tpu.memory_space<vmem>>) dst(%dma_wait3A_51 : memref<24x128xf32, #tpu.memory_space<hbm>>)
        tpu.yield
      }) : () -> ()
    }
    %scan3A_32 = arith.constant 26 : i32
    %eq3A_33 = arith.constant 15 : i32
    %eq3A_34 = arith.cmpi eq, %arg1, %eq3A_33 : i32
    %convert_element_type3A = arith.extui %eq3A_34 : i1 to i32
    %cond3A = arith.constant 0 : i32
    %cond3A_35 = arith.cmpi ne, %convert_element_type3A, %cond3A : i32
    scf.if %cond3A_35 {
      "tpu.region"() ({
        %run_scoped3A = tpu.sem_alloc : memref<!tpu.dma_semaphore, #tpu.memory_space<semaphore_mem>>
        %dma_start3A = arith.constant 0 : i32
        %dma_start3A_36 = arith.constant 0 : i32
        %dma_start3A_37 = tpu.memref_slice %arg9[%dma_start3A, %dma_start3A_36] : memref<24x128xf32, #tpu.memory_space<vmem>> -> memref<16x128xf32, #tpu.memory_space<vmem>>
        %dma_start3A_38 = arith.constant 9984 : i32
        %dma_start3A_39 = arith.constant 0 : i32
        %dma_start3A_40 = tpu.memref_slice %arg10[%dma_start3A_38, %dma_start3A_39] : memref<10000x128xf32, #tpu.memory_space<vmem_shared>> -> memref<16x128xf32, #tpu.memory_space<vmem_shared>>
        %dma_start3A_41 = arith.constant 0 : i32
        %dma_start3A_42 = arith.constant 0 : i32
        %dma_start3A_43 = tpu.memref_slice %arg9[%dma_start3A_41, %dma_start3A_42] : memref<24x128xf32, #tpu.memory_space<vmem>> -> memref<16x128xf32, #tpu.memory_space<vmem>>
        %dma_start3A_44 = arith.constant 9984 : i32
        %dma_start3A_45 = arith.constant 0 : i32
        %dma_start3A_46 = tpu.memref_slice %arg10[%dma_start3A_44, %dma_start3A_45] : memref<10000x128xf32, #tpu.memory_space<vmem_shared>> -> memref<16x128xf32, #tpu.memory_space<vmem_shared>>
        tpu.enqueue_dma source(%dma_start3A_46 : memref<16x128xf32, #tpu.memory_space<vmem_shared>>) target(%dma_start3A_43 : memref<16x128xf32, #tpu.memory_space<vmem>>) target_semaphore(%run_scoped3A : memref<!tpu.dma_semaphore, #tpu.memory_space<semaphore_mem>>)
        %dma_wait3A = arith.constant 0 : i32
        %dma_wait3A_47 = arith.constant 0 : i32
        %dma_wait3A_48 = tpu.memref_slice %arg9[%dma_wait3A, %dma_wait3A_47] : memref<24x128xf32, #tpu.memory_space<vmem>> -> memref<16x128xf32, #tpu.memory_space<vmem>>
        %dma_wait3A_49 = arith.constant 9984 : i32
        %dma_wait3A_50 = arith.constant 0 : i32
        %dma_wait3A_51 = tpu.memref_slice %arg10[%dma_wait3A_49, %dma_wait3A_50] : memref<10000x128xf32, #tpu.memory_space<vmem_shared>> -> memref<16x128xf32, #tpu.memory_space<vmem_shared>>
        %dma_wait3A_52 = arith.constant 0 : i32
        %dma_wait3A_53 = arith.constant 0 : i32
        %dma_wait3A_54 = tpu.memref_slice %arg9[%dma_wait3A_52, %dma_wait3A_53] : memref<24x128xf32, #tpu.memory_space<vmem>> -> memref<16x128xf32, #tpu.memory_space<vmem>>
        %dma_wait3A_55 = arith.constant 9984 : i32
        %dma_wait3A_56 = arith.constant 0 : i32
        %dma_wait3A_57 = tpu.memref_slice %arg10[%dma_wait3A_55, %dma_wait3A_56] : memref<10000x128xf32, #tpu.memory_space<vmem_shared>> -> memref<16x128xf32, #tpu.memory_space<vmem_shared>>
        tpu.wait_dma2 semaphore(%run_scoped3A : memref<!tpu.dma_semaphore, #tpu.memory_space<semaphore_mem>>) src(%dma_wait3A_57 : memref<16x128xf32, #tpu.memory_space<vmem_shared>>) dst(%dma_wait3A_54 : memref<16x128xf32, #tpu.memory_space<vmem>>)
        tpu.yield
      }) : () -> ()
      "tpu.region"() ({
        %run_scoped3A = tpu.sem_alloc : memref<!tpu.dma_semaphore, #tpu.memory_space<semaphore_mem>>
        %dma_start3A = arith.constant 0 : i32
        %dma_start3A_36 = arith.constant 0 : i32
        %dma_start3A_37 = tpu.memref_slice %arg9[%dma_start3A, %dma_start3A_36] : memref<24x128xf32, #tpu.memory_space<vmem>> -> memref<16x128xf32, #tpu.memory_space<vmem>>
        %dma_start3A_38 = arith.constant 9984 : i32
        %dma_start3A_39 = arith.constant 0 : i32
        %dma_start3A_40 = tpu.memref_slice %arg4[%arg0, %dma_start3A_38, %dma_start3A_39] : memref<2x10000x128xf32, #tpu.memory_space<hbm>> -> memref<1x16x128xf32, #tpu.memory_space<hbm>>
        %dma_start3A_41 = tpu.memref_squeeze %dma_start3A_40 : memref<1x16x128xf32, #tpu.memory_space<hbm>> -> memref<16x128xf32, #tpu.memory_space<hbm>>
        %dma_start3A_42 = arith.constant 9984 : i32
        %dma_start3A_43 = arith.constant 0 : i32
        %dma_start3A_44 = tpu.memref_slice %arg4[%arg0, %dma_start3A_42, %dma_start3A_43] : memref<2x10000x128xf32, #tpu.memory_space<hbm>> -> memref<1x16x128xf32, #tpu.memory_space<hbm>>
        %dma_start3A_45 = tpu.memref_squeeze %dma_start3A_44 : memref<1x16x128xf32, #tpu.memory_space<hbm>> -> memref<16x128xf32, #tpu.memory_space<hbm>>
        %dma_start3A_46 = arith.constant 0 : i32
        %dma_start3A_47 = arith.constant 0 : i32
        %dma_start3A_48 = tpu.memref_slice %arg9[%dma_start3A_46, %dma_start3A_47] : memref<24x128xf32, #tpu.memory_space<vmem>> -> memref<16x128xf32, #tpu.memory_space<vmem>>
        tpu.enqueue_dma source(%dma_start3A_48 : memref<16x128xf32, #tpu.memory_space<vmem>>) target(%dma_start3A_45 : memref<16x128xf32, #tpu.memory_space<hbm>>) target_semaphore(%run_scoped3A : memref<!tpu.dma_semaphore, #tpu.memory_space<semaphore_mem>>)
        %dma_wait3A = arith.constant 0 : i32
        %dma_wait3A_49 = arith.constant 0 : i32
        %dma_wait3A_50 = tpu.memref_slice %arg9[%dma_wait3A, %dma_wait3A_49] : memref<24x128xf32, #tpu.memory_space<vmem>> -> memref<16x128xf32, #tpu.memory_space<vmem>>
        %dma_wait3A_51 = arith.constant 9984 : i32
        %dma_wait3A_52 = arith.constant 0 : i32
        %dma_wait3A_53 = tpu.memref_slice %arg4[%arg0, %dma_wait3A_51, %dma_wait3A_52] : memref<2x10000x128xf32, #tpu.memory_space<hbm>> -> memref<1x16x128xf32, #tpu.memory_space<hbm>>
        %dma_wait3A_54 = tpu.memref_squeeze %dma_wait3A_53 : memref<1x16x128xf32, #tpu.memory_space<hbm>> -> memref<16x128xf32, #tpu.memory_space<hbm>>
        %dma_wait3A_55 = arith.constant 9984 : i32
        %dma_wait3A_56 = arith.constant 0 : i32
        %dma_wait3A_57 = tpu.memref_slice %arg4[%arg0, %dma_wait3A_55, %dma_wait3A_56] : memref<2x10000x128xf32, #tpu.memory_space<hbm>> -> memref<1x16x128xf32, #tpu.memory_space<hbm>>
        %dma_wait3A_58 = tpu.memref_squeeze %dma_wait3A_57 : memref<1x16x128xf32, #tpu.memory_space<hbm>> -> memref<16x128xf32, #tpu.memory_space<hbm>>
        %dma_wait3A_59 = arith.constant 0 : i32
        %dma_wait3A_60 = arith.constant 0 : i32
        %dma_wait3A_61 = tpu.memref_slice %arg9[%dma_wait3A_59, %dma_wait3A_60] : memref<24x128xf32, #tpu.memory_space<vmem>> -> memref<16x128xf32, #tpu.memory_space<vmem>>
        tpu.wait_dma2 semaphore(%run_scoped3A : memref<!tpu.dma_semaphore, #tpu.memory_space<semaphore_mem>>) src(%dma_wait3A_61 : memref<16x128xf32, #tpu.memory_space<vmem>>) dst(%dma_wait3A_58 : memref<16x128xf32, #tpu.memory_space<hbm>>)
        tpu.yield
      }) : () -> ()
    } else {
    }
    return
  }
}

#map = affine_map<(d0, d1) -> (0)>
#map1 = affine_map<(d0, d1) -> (0, 0, 0)>
module attributes {stable_mosaic.version = 14 : i64} {
  func.func @k(%arg0: i32, %arg1: i32, %arg2: memref<320000xi32, #tpu.memory_space<hbm>>, %arg3: memref<2x10000x128xf32, #tpu.memory_space<hbm>>, %arg4: memref<40xi32, #tpu.memory_space<vmem>>, %arg5: memref<40x128xf32, #tpu.memory_space<vmem>>, %arg6: memref<16x128xf32, #tpu.memory_space<vmem>>, %arg7: memref<16xi32, #tpu.memory_space<vmem>>, %arg8: memref<24x128xf32, #tpu.memory_space<vmem>>, %arg9: memref<10000x128xf32, #tpu.memory_space<vmem_shared>>) attributes {dimension_semantics = [#tpu.dimension_semantics<core_parallel>, #tpu.dimension_semantics<subcore_parallel>], iteration_bounds = array<i64: 2, 16>, scalar_prefetch = 0 : i64, scratch_operands = 6 : i64, tpu.core_type = #tpu.core_type<sc_vector_subcore>, window_params = [{transform_indices = #map}, {transform_indices = #map1}]} {
    %mul3A = arith.constant 16 : i32
    %mul3A_0 = arith.muli %arg0, %mul3A : i32
    %add3A = arith.addi %mul3A_0, %arg1 : i32
    %iota3A = tpu.iota {dimensions = array<i32: 0>} : vector<16xi32>
    %scan3A = arith.constant 0 : i32
    %scan3A_1 = arith.constant 0 : i32
    %scan3A_2 = arith.constant 128 : i32
    %scan3A_3 = arith.addi %scan3A_1, %scan3A_2 : i32
    %scan3A_4 = arith.constant 1 : i32
    scf.for %scan3A_42 = %scan3A_1 to %scan3A_3 step %scan3A_4  : i32 {
      %broadcast_in_dim3A = arith.constant 0.000000e+00 : f32
      %broadcast_in_dim3A_43 = vector.broadcast %broadcast_in_dim3A : f32 to vector<16xf32>
      %jit3A = arith.constant 8 : i32
      %div3A = arith.divsi %scan3A_42, %jit3A : i32
      %sign3A = arith.constant 0 : i32
      %sign3A_44 = arith.cmpi sgt, %scan3A_42, %sign3A : i32
      %sign3A_45 = arith.extui %sign3A_44 : i1 to i32
      %sign3A_46 = arith.constant 0 : i32
      %sign3A_47 = arith.cmpi slt, %scan3A_42, %sign3A_46 : i32
      %sign3A_48 = arith.extui %sign3A_47 : i1 to i32
      %sign3A_49 = arith.subi %sign3A_45, %sign3A_48 : i32
      %sign3A_50 = arith.constant 0 : i32
      %sign3A_51 = arith.cmpi sgt, %jit3A, %sign3A_50 : i32
      %sign3A_52 = arith.extui %sign3A_51 : i1 to i32
      %sign3A_53 = arith.constant 0 : i32
      %sign3A_54 = arith.cmpi slt, %jit3A, %sign3A_53 : i32
      %sign3A_55 = arith.extui %sign3A_54 : i1 to i32
      %sign3A_56 = arith.subi %sign3A_52, %sign3A_55 : i32
      %ne3A = arith.cmpi ne, %sign3A_49, %sign3A_56 : i32
      %rem3A = arith.remsi %scan3A_42, %jit3A : i32
      %ne3A_57 = arith.constant 0 : i32
      %ne3A_58 = arith.cmpi ne, %rem3A, %ne3A_57 : i32
      %and3A = arith.andi %ne3A, %ne3A_58 : i1
      %sub3A = arith.constant 1 : i32
      %sub3A_59 = arith.subi %div3A, %sub3A : i32
      %select_n3A_60 = arith.select %and3A, %sub3A_59, %div3A : i32
      %jit3A_61 = arith.constant 8 : i32
      %eq3A_62 = arith.constant 0 : i32
      %eq3A_63 = arith.cmpi eq, %jit3A_61, %eq3A_62 : i32
      %jit3A_64 = arith.constant 1 : i32
      %select_n3A_65 = arith.select %eq3A_63, %jit3A_64, %jit3A_61 : i32
      %rem3A_66 = arith.remsi %scan3A_42, %select_n3A_65 : i32
      %ne3A_67 = arith.constant 0 : i32
      %ne3A_68 = arith.cmpi ne, %rem3A_66, %ne3A_67 : i32
      %lt3A = arith.constant 0 : i32
      %lt3A_69 = arith.cmpi slt, %rem3A_66, %lt3A : i32
      %lt3A_70 = arith.constant 0 : i32
      %lt3A_71 = arith.cmpi slt, %select_n3A_65, %lt3A_70 : i32
      %ne3A_72 = arith.xori %lt3A_69, %lt3A_71 : i1
      %and3A_73 = arith.andi %ne3A_72, %ne3A_68 : i1
      %add3A_74 = arith.addi %rem3A_66, %select_n3A_65 : i32
      %select_n3A_75 = arith.select %and3A_73, %add3A_74, %rem3A_66 : i32
      %mul3A_76 = arith.constant 16 : i32
      %mul3A_77 = arith.muli %select_n3A_75, %mul3A_76 : i32
      %swap3A = arith.index_cast %select_n3A_60 : i32 to index
      %swap3A_78 = arith.index_cast %mul3A_77 : i32 to index
      %swap3A_79 = tpu.vector_load %arg6[%swap3A, %swap3A_78] {strides = array<i32>} : memref<16x128xf32, #tpu.memory_space<vmem>>, vector<1x16xf32>,
      %swap3A_80 = vector.shape_cast %swap3A_79 : vector<1x16xf32> to vector<16xf32>
      %swap3A_81 = vector.shape_cast %broadcast_in_dim3A_43 : vector<16xf32> to vector<1x16xf32>
      tpu.vector_store %arg6[%swap3A, %swap3A_78], %swap3A_81 {strides = array<i32>} : memref<16x128xf32, #tpu.memory_space<vmem>>, vector<1x16xf32>,
    }
    %scan3A_5 = arith.constant 128 : i32
    %scan3A_6 = arith.constant 0 : i32
    %scan3A_7 = arith.constant 0 : i32
    %scan3A_8 = arith.constant 320 : i32
    %scan3A_9 = arith.addi %scan3A_7, %scan3A_8 : i32
    %scan3A_10 = arith.constant 1 : i32
    scf.for %scan3A_42 = %scan3A_7 to %scan3A_9 step %scan3A_10  : i32 {
      %broadcast_in_dim3A = arith.constant 1.000000e+00 : f32
      %broadcast_in_dim3A_43 = vector.broadcast %broadcast_in_dim3A : f32 to vector<16xf32>
      %jit3A = arith.constant 8 : i32
      %div3A = arith.divsi %scan3A_42, %jit3A : i32
      %sign3A = arith.constant 0 : i32
      %sign3A_44 = arith.cmpi sgt, %scan3A_42, %sign3A : i32
      %sign3A_45 = arith.extui %sign3A_44 : i1 to i32
      %sign3A_46 = arith.constant 0 : i32
      %sign3A_47 = arith.cmpi slt, %scan3A_42, %sign3A_46 : i32
      %sign3A_48 = arith.extui %sign3A_47 : i1 to i32
      %sign3A_49 = arith.subi %sign3A_45, %sign3A_48 : i32
      %sign3A_50 = arith.constant 0 : i32
      %sign3A_51 = arith.cmpi sgt, %jit3A, %sign3A_50 : i32
      %sign3A_52 = arith.extui %sign3A_51 : i1 to i32
      %sign3A_53 = arith.constant 0 : i32
      %sign3A_54 = arith.cmpi slt, %jit3A, %sign3A_53 : i32
      %sign3A_55 = arith.extui %sign3A_54 : i1 to i32
      %sign3A_56 = arith.subi %sign3A_52, %sign3A_55 : i32
      %ne3A = arith.cmpi ne, %sign3A_49, %sign3A_56 : i32
      %rem3A = arith.remsi %scan3A_42, %jit3A : i32
      %ne3A_57 = arith.constant 0 : i32
      %ne3A_58 = arith.cmpi ne, %rem3A, %ne3A_57 : i32
      %and3A = arith.andi %ne3A, %ne3A_58 : i1
      %sub3A = arith.constant 1 : i32
      %sub3A_59 = arith.subi %div3A, %sub3A : i32
      %select_n3A_60 = arith.select %and3A, %sub3A_59, %div3A : i32
      %jit3A_61 = arith.constant 8 : i32
      %eq3A_62 = arith.constant 0 : i32
      %eq3A_63 = arith.cmpi eq, %jit3A_61, %eq3A_62 : i32
      %jit3A_64 = arith.constant 1 : i32
      %select_n3A_65 = arith.select %eq3A_63, %jit3A_64, %jit3A_61 : i32
      %rem3A_66 = arith.remsi %scan3A_42, %select_n3A_65 : i32
      %ne3A_67 = arith.constant 0 : i32
      %ne3A_68 = arith.cmpi ne, %rem3A_66, %ne3A_67 : i32
      %lt3A = arith.constant 0 : i32
      %lt3A_69 = arith.cmpi slt, %rem3A_66, %lt3A : i32
      %lt3A_70 = arith.constant 0 : i32
      %lt3A_71 = arith.cmpi slt, %select_n3A_65, %lt3A_70 : i32
      %ne3A_72 = arith.xori %lt3A_69, %lt3A_71 : i1
      %and3A_73 = arith.andi %ne3A_72, %ne3A_68 : i1
      %add3A_74 = arith.addi %rem3A_66, %select_n3A_65 : i32
      %select_n3A_75 = arith.select %and3A_73, %add3A_74, %rem3A_66 : i32
      %mul3A_76 = arith.constant 16 : i32
      %mul3A_77 = arith.muli %select_n3A_75, %mul3A_76 : i32
      %swap3A = arith.index_cast %select_n3A_60 : i32 to index
      %swap3A_78 = arith.index_cast %mul3A_77 : i32 to index
      %swap3A_79 = tpu.vector_load %arg5[%swap3A, %swap3A_78] {strides = array<i32>} : memref<40x128xf32, #tpu.memory_space<vmem>>, vector<1x16xf32>,
      %swap3A_80 = vector.shape_cast %swap3A_79 : vector<1x16xf32> to vector<16xf32>
      %swap3A_81 = vector.shape_cast %broadcast_in_dim3A_43 : vector<16xf32> to vector<1x16xf32>
      tpu.vector_store %arg5[%swap3A, %swap3A_78], %swap3A_81 {strides = array<i32>} : memref<40x128xf32, #tpu.memory_space<vmem>>, vector<1x16xf32>,
    }
    %scan3A_11 = arith.constant 320 : i32
    %eq3A = arith.constant 15 : i32
    %eq3A_12 = arith.cmpi eq, %arg1, %eq3A : i32
    %select_n3A = arith.constant 40 : i32
    %select_n3A_13 = arith.constant 25 : i32
    %select_n3A_14 = arith.select %eq3A_12, %select_n3A_13, %select_n3A : i32
    %while3A = arith.constant 0 : i32
    %while3A_15 = arith.constant 0 : i32
    %while3A_16 = arith.subi %select_n3A_14, %while3A_15 : i32
    %while3A_17 = arith.addi %while3A_15, %while3A_16 : i32
    %while3A_18 = arith.constant 1 : i32
    %while3A_19 = arith.divsi %while3A_16, %while3A_18 : i32
    %while3A_20 = arith.muli %while3A_19, %while3A_18 : i32
    %while3A_21 = arith.addi %while3A_15, %while3A_20 : i32
    %while3A_22 = arith.constant 1 : i32
    scf.for %while3A_42 = %while3A_15 to %while3A_21 step %while3A_22  : i32 {
      %mul3A_43 = arith.constant 640 : i32
      %mul3A_44 = arith.muli %arg1, %mul3A_43 : i32
      %mul3A_45 = arith.constant 16 : i32
      %mul3A_46 = arith.muli %while3A_42, %mul3A_45 : i32
      %add3A_47 = arith.addi %mul3A_44, %mul3A_46 : i32
      %add3A_48 = vector.broadcast %add3A_47 : i32 to vector<16xi32>
      %add3A_49 = arith.addi %add3A_48, %iota3A : vector<16xi32>
      %swap3A = arith.constant 0 : index
      %swap3A_50 = tpu.vector_load %arg7[%swap3A] {strides = array<i32>} : memref<16xi32, #tpu.memory_space<vmem>>, vector<16xi32>,
      %swap3A_51 = vector.shape_cast %swap3A_50 : vector<16xi32> to vector<16xi32>
      %swap3A_52 = vector.shape_cast %add3A_49 : vector<16xi32> to vector<16xi32>
      tpu.vector_store %arg7[%swap3A], %swap3A_52 {strides = array<i32>} : memref<16xi32, #tpu.memory_space<vmem>>, vector<16xi32>,
      "tpu.region"() ({
        %run_scoped3A = tpu.sem_alloc : memref<!tpu.dma_semaphore, #tpu.memory_space<semaphore_mem>>
        %dma_start3A = arith.constant 0 : i32
        %dma_start3A_53 = arith.constant 0 : i32
        %dma_start3A_54 = tpu.memref_slice %arg9[%dma_start3A, %dma_start3A_53] : memref<10000x128xf32, #tpu.memory_space<vmem_shared>> -> memref<10000x128xf32, #tpu.memory_space<vmem_shared>>
        tpu.enqueue_indirect_dma source(%arg6 : memref<16x128xf32, #tpu.memory_space<vmem>>) target(%dma_start3A_54 : memref<10000x128xf32, #tpu.memory_space<vmem_shared>>) offsets(%arg7 : memref<16xi32, #tpu.memory_space<vmem>>) semaphore(%run_scoped3A : memref<!tpu.dma_semaphore, #tpu.memory_space<semaphore_mem>>)
        %dma_wait3A = arith.constant 0 : i32
        %dma_wait3A_55 = arith.constant 0 : i32
        %dma_wait3A_56 = tpu.memref_slice %arg9[%dma_wait3A, %dma_wait3A_55] : memref<10000x128xf32, #tpu.memory_space<vmem_shared>> -> memref<10000x128xf32, #tpu.memory_space<vmem_shared>>
        tpu.wait_indirect_dma semaphore(%run_scoped3A : memref<!tpu.dma_semaphore, #tpu.memory_space<semaphore_mem>>) src(%arg6 : memref<16x128xf32, #tpu.memory_space<vmem>>) dst(%dma_wait3A_56 : memref<10000x128xf32, #tpu.memory_space<vmem_shared>>)
        tpu.yield
      }) : () -> ()
    }
    %while3A_23 = arith.constant 1 : i32
    scf.for %while3A_42 = %while3A_21 to %while3A_17 step %while3A_23  : i32 {
      %mul3A_43 = arith.constant 640 : i32
      %mul3A_44 = arith.muli %arg1, %mul3A_43 : i32
      %mul3A_45 = arith.constant 16 : i32
      %mul3A_46 = arith.muli %while3A_42, %mul3A_45 : i32
      %add3A_47 = arith.addi %mul3A_44, %mul3A_46 : i32
      %add3A_48 = vector.broadcast %add3A_47 : i32 to vector<16xi32>
      %add3A_49 = arith.addi %add3A_48, %iota3A : vector<16xi32>
      %swap3A = arith.constant 0 : index
      %swap3A_50 = tpu.vector_load %arg7[%swap3A] {strides = array<i32>} : memref<16xi32, #tpu.memory_space<vmem>>, vector<16xi32>,
      %swap3A_51 = vector.shape_cast %swap3A_50 : vector<16xi32> to vector<16xi32>
      %swap3A_52 = vector.shape_cast %add3A_49 : vector<16xi32> to vector<16xi32>
      tpu.vector_store %arg7[%swap3A], %swap3A_52 {strides = array<i32>} : memref<16xi32, #tpu.memory_space<vmem>>, vector<16xi32>,
      "tpu.region"() ({
        %run_scoped3A = tpu.sem_alloc : memref<!tpu.dma_semaphore, #tpu.memory_space<semaphore_mem>>
        %dma_start3A = arith.constant 0 : i32
        %dma_start3A_53 = arith.constant 0 : i32
        %dma_start3A_54 = tpu.memref_slice %arg9[%dma_start3A, %dma_start3A_53] : memref<10000x128xf32, #tpu.memory_space<vmem_shared>> -> memref<10000x128xf32, #tpu.memory_space<vmem_shared>>
        tpu.enqueue_indirect_dma source(%arg6 : memref<16x128xf32, #tpu.memory_space<vmem>>) target(%dma_start3A_54 : memref<10000x128xf32, #tpu.memory_space<vmem_shared>>) offsets(%arg7 : memref<16xi32, #tpu.memory_space<vmem>>) semaphore(%run_scoped3A : memref<!tpu.dma_semaphore, #tpu.memory_space<semaphore_mem>>)
        %dma_wait3A = arith.constant 0 : i32
        %dma_wait3A_55 = arith.constant 0 : i32
        %dma_wait3A_56 = tpu.memref_slice %arg9[%dma_wait3A, %dma_wait3A_55] : memref<10000x128xf32, #tpu.memory_space<vmem_shared>> -> memref<10000x128xf32, #tpu.memory_space<vmem_shared>>
        tpu.wait_indirect_dma semaphore(%run_scoped3A : memref<!tpu.dma_semaphore, #tpu.memory_space<semaphore_mem>>) src(%arg6 : memref<16x128xf32, #tpu.memory_space<vmem>>) dst(%dma_wait3A_56 : memref<10000x128xf32, #tpu.memory_space<vmem_shared>>)
        tpu.yield
      }) : () -> ()
    }
    %barrier3A = arith.constant 0 : index
    tpu.barrier barrier_id(%barrier3A)
    %mul3A_24 = arith.constant 10000 : i32
    %mul3A_25 = arith.muli %add3A, %mul3A_24 : i32
    %scan3A_26 = arith.constant 0 : i32
    %scan3A_27 = arith.constant 0 : i32
    %scan3A_28 = arith.constant 250 : i32
    %scan3A_29 = arith.addi %scan3A_27, %scan3A_28 : i32
    %scan3A_30 = arith.constant 1 : i32
    scf.for %scan3A_42 = %scan3A_27 to %scan3A_29 step %scan3A_30  : i32 {
      %mul3A_43 = arith.constant 40 : i32
      %mul3A_44 = arith.muli %scan3A_42, %mul3A_43 : i32
      %add3A_45 = arith.addi %mul3A_25, %mul3A_44 : i32
      "tpu.region"() ({
        %run_scoped3A = tpu.sem_alloc : memref<!tpu.dma_semaphore, #tpu.memory_space<semaphore_mem>>
        %dma_start3A = tpu.memref_slice %arg2[%add3A_45] : memref<320000xi32, #tpu.memory_space<hbm>> -> memref<40xi32, #tpu.memory_space<hbm>>
        %dma_start3A_46 = tpu.memref_slice %arg2[%add3A_45] : memref<320000xi32, #tpu.memory_space<hbm>> -> memref<40xi32, #tpu.memory_space<hbm>>
        tpu.enqueue_dma source(%dma_start3A_46 : memref<40xi32, #tpu.memory_space<hbm>>) target(%arg4 : memref<40xi32, #tpu.memory_space<vmem>>) target_semaphore(%run_scoped3A : memref<!tpu.dma_semaphore, #tpu.memory_space<semaphore_mem>>)
        %dma_wait3A = tpu.memref_slice %arg2[%add3A_45] : memref<320000xi32, #tpu.memory_space<hbm>> -> memref<40xi32, #tpu.memory_space<hbm>>
        %dma_wait3A_47 = tpu.memref_slice %arg2[%add3A_45] : memref<320000xi32, #tpu.memory_space<hbm>> -> memref<40xi32, #tpu.memory_space<hbm>>
        tpu.wait_dma2 semaphore(%run_scoped3A : memref<!tpu.dma_semaphore, #tpu.memory_space<semaphore_mem>>) src(%dma_wait3A_47 : memref<40xi32, #tpu.memory_space<hbm>>) dst(%arg4 : memref<40xi32, #tpu.memory_space<vmem>>)
        tpu.yield
      }) : () -> ()
      "tpu.region"() ({
        %run_scoped3A = tpu.sem_alloc : memref<!tpu.dma_semaphore, #tpu.memory_space<semaphore_mem>>
        %dma_start3A = arith.constant 0 : i32
        %dma_start3A_46 = arith.constant 0 : i32
        %dma_start3A_47 = tpu.memref_slice %arg9[%dma_start3A, %dma_start3A_46] : memref<10000x128xf32, #tpu.memory_space<vmem_shared>> -> memref<10000x128xf32, #tpu.memory_space<vmem_shared>>
        tpu.enqueue_indirect_dma source(%arg5 : memref<40x128xf32, #tpu.memory_space<vmem>>) target(%dma_start3A_47 : memref<10000x128xf32, #tpu.memory_space<vmem_shared>>) offsets(%arg4 : memref<40xi32, #tpu.memory_space<vmem>>) semaphore(%run_scoped3A : memref<!tpu.dma_semaphore, #tpu.memory_space<semaphore_mem>>) {add = true}
        %dma_wait3A = arith.constant 0 : i32
        %dma_wait3A_48 = arith.constant 0 : i32
        %dma_wait3A_49 = tpu.memref_slice %arg9[%dma_wait3A, %dma_wait3A_48] : memref<10000x128xf32, #tpu.memory_space<vmem_shared>> -> memref<10000x128xf32, #tpu.memory_space<vmem_shared>>
        tpu.wait_indirect_dma semaphore(%run_scoped3A : memref<!tpu.dma_semaphore, #tpu.memory_space<semaphore_mem>>) src(%arg5 : memref<40x128xf32, #tpu.memory_space<vmem>>) dst(%dma_wait3A_49 : memref<10000x128xf32, #tpu.memory_space<vmem_shared>>)
        tpu.yield
      }) : () -> ()
    }
    %scan3A_31 = arith.constant 250 : i32
    %barrier3A_32 = arith.constant 0 : index
    tpu.barrier barrier_id(%barrier3A_32)
    %scan3A_33 = arith.constant 0 : i32
    %scan3A_34 = arith.constant 0 : i32
    %scan3A_35 = arith.constant 26 : i32
    %scan3A_36 = arith.addi %scan3A_34, %scan3A_35 : i32
    %scan3A_37 = arith.constant 1 : i32
    scf.for %scan3A_42 = %scan3A_34 to %scan3A_36 step %scan3A_37  : i32 {
      %mul3A_43 = arith.constant 624 : i32
      %mul3A_44 = arith.muli %arg1, %mul3A_43 : i32
      %mul3A_45 = arith.constant 24 : i32
      %mul3A_46 = arith.muli %scan3A_42, %mul3A_45 : i32
      %add3A_47 = arith.addi %mul3A_44, %mul3A_46 : i32
      "tpu.region"() ({
        %run_scoped3A = tpu.sem_alloc : memref<!tpu.dma_semaphore, #tpu.memory_space<semaphore_mem>>
        %dma_start3A = arith.constant 0 : i32
        %dma_start3A_48 = tpu.memref_slice %arg9[%add3A_47, %dma_start3A] : memref<10000x128xf32, #tpu.memory_space<vmem_shared>> -> memref<24x128xf32, #tpu.memory_space<vmem_shared>>
        %dma_start3A_49 = arith.constant 0 : i32
        %dma_start3A_50 = tpu.memref_slice %arg9[%add3A_47, %dma_start3A_49] : memref<10000x128xf32, #tpu.memory_space<vmem_shared>> -> memref<24x128xf32, #tpu.memory_space<vmem_shared>>
        tpu.enqueue_dma source(%dma_start3A_50 : memref<24x128xf32, #tpu.memory_space<vmem_shared>>) target(%arg8 : memref<24x128xf32, #tpu.memory_space<vmem>>) target_semaphore(%run_scoped3A : memref<!tpu.dma_semaphore, #tpu.memory_space<semaphore_mem>>)
        %dma_wait3A = arith.constant 0 : i32
        %dma_wait3A_51 = tpu.memref_slice %arg9[%add3A_47, %dma_wait3A] : memref<10000x128xf32, #tpu.memory_space<vmem_shared>> -> memref<24x128xf32, #tpu.memory_space<vmem_shared>>
        %dma_wait3A_52 = arith.constant 0 : i32
        %dma_wait3A_53 = tpu.memref_slice %arg9[%add3A_47, %dma_wait3A_52] : memref<10000x128xf32, #tpu.memory_space<vmem_shared>> -> memref<24x128xf32, #tpu.memory_space<vmem_shared>>
        tpu.wait_dma2 semaphore(%run_scoped3A : memref<!tpu.dma_semaphore, #tpu.memory_space<semaphore_mem>>) src(%dma_wait3A_53 : memref<24x128xf32, #tpu.memory_space<vmem_shared>>) dst(%arg8 : memref<24x128xf32, #tpu.memory_space<vmem>>)
        tpu.yield
      }) : () -> ()
      "tpu.region"() ({
        %run_scoped3A = tpu.sem_alloc : memref<!tpu.dma_semaphore, #tpu.memory_space<semaphore_mem>>
        %dma_start3A = arith.constant 0 : i32
        %dma_start3A_48 = tpu.memref_slice %arg3[%arg0, %add3A_47, %dma_start3A] : memref<2x10000x128xf32, #tpu.memory_space<hbm>> -> memref<1x24x128xf32, #tpu.memory_space<hbm>>
        %dma_start3A_49 = tpu.memref_squeeze %dma_start3A_48 : memref<1x24x128xf32, #tpu.memory_space<hbm>> -> memref<24x128xf32, #tpu.memory_space<hbm>>
        %dma_start3A_50 = arith.constant 0 : i32
        %dma_start3A_51 = tpu.memref_slice %arg3[%arg0, %add3A_47, %dma_start3A_50] : memref<2x10000x128xf32, #tpu.memory_space<hbm>> -> memref<1x24x128xf32, #tpu.memory_space<hbm>>
        %dma_start3A_52 = tpu.memref_squeeze %dma_start3A_51 : memref<1x24x128xf32, #tpu.memory_space<hbm>> -> memref<24x128xf32, #tpu.memory_space<hbm>>
        tpu.enqueue_dma source(%arg8 : memref<24x128xf32, #tpu.memory_space<vmem>>) target(%dma_start3A_52 : memref<24x128xf32, #tpu.memory_space<hbm>>) target_semaphore(%run_scoped3A : memref<!tpu.dma_semaphore, #tpu.memory_space<semaphore_mem>>)
        %dma_wait3A = arith.constant 0 : i32
        %dma_wait3A_53 = tpu.memref_slice %arg3[%arg0, %add3A_47, %dma_wait3A] : memref<2x10000x128xf32, #tpu.memory_space<hbm>> -> memref<1x24x128xf32, #tpu.memory_space<hbm>>
        %dma_wait3A_54 = tpu.memref_squeeze %dma_wait3A_53 : memref<1x24x128xf32, #tpu.memory_space<hbm>> -> memref<24x128xf32, #tpu.memory_space<hbm>>
        %dma_wait3A_55 = arith.constant 0 : i32
        %dma_wait3A_56 = tpu.memref_slice %arg3[%arg0, %add3A_47, %dma_wait3A_55] : memref<2x10000x128xf32, #tpu.memory_space<hbm>> -> memref<1x24x128xf32, #tpu.memory_space<hbm>>
        %dma_wait3A_57 = tpu.memref_squeeze %dma_wait3A_56 : memref<1x24x128xf32, #tpu.memory_space<hbm>> -> memref<24x128xf32, #tpu.memory_space<hbm>>
        tpu.wait_dma2 semaphore(%run_scoped3A : memref<!tpu.dma_semaphore, #tpu.memory_space<semaphore_mem>>) src(%arg8 : memref<24x128xf32, #tpu.memory_space<vmem>>) dst(%dma_wait3A_57 : memref<24x128xf32, #tpu.memory_space<hbm>>)
        tpu.yield
      }) : () -> ()
    }
    %scan3A_38 = arith.constant 26 : i32
    %eq3A_39 = arith.constant 15 : i32
    %eq3A_40 = arith.cmpi eq, %arg1, %eq3A_39 : i32
    %convert_element_type3A = arith.extui %eq3A_40 : i1 to i32
    %cond3A = arith.constant 0 : i32
    %cond3A_41 = arith.cmpi ne, %convert_element_type3A, %cond3A : i32
    scf.if %cond3A_41 {
      "tpu.region"() ({
        %run_scoped3A = tpu.sem_alloc : memref<!tpu.dma_semaphore, #tpu.memory_space<semaphore_mem>>
        %dma_start3A = arith.constant 0 : i32
        %dma_start3A_42 = arith.constant 0 : i32
        %dma_start3A_43 = tpu.memref_slice %arg8[%dma_start3A, %dma_start3A_42] : memref<24x128xf32, #tpu.memory_space<vmem>> -> memref<16x128xf32, #tpu.memory_space<vmem>>
        %dma_start3A_44 = arith.constant 9984 : i32
        %dma_start3A_45 = arith.constant 0 : i32
        %dma_start3A_46 = tpu.memref_slice %arg9[%dma_start3A_44, %dma_start3A_45] : memref<10000x128xf32, #tpu.memory_space<vmem_shared>> -> memref<16x128xf32, #tpu.memory_space<vmem_shared>>
        %dma_start3A_47 = arith.constant 0 : i32
        %dma_start3A_48 = arith.constant 0 : i32
        %dma_start3A_49 = tpu.memref_slice %arg8[%dma_start3A_47, %dma_start3A_48] : memref<24x128xf32, #tpu.memory_space<vmem>> -> memref<16x128xf32, #tpu.memory_space<vmem>>
        %dma_start3A_50 = arith.constant 9984 : i32
        %dma_start3A_51 = arith.constant 0 : i32
        %dma_start3A_52 = tpu.memref_slice %arg9[%dma_start3A_50, %dma_start3A_51] : memref<10000x128xf32, #tpu.memory_space<vmem_shared>> -> memref<16x128xf32, #tpu.memory_space<vmem_shared>>
        tpu.enqueue_dma source(%dma_start3A_52 : memref<16x128xf32, #tpu.memory_space<vmem_shared>>) target(%dma_start3A_49 : memref<16x128xf32, #tpu.memory_space<vmem>>) target_semaphore(%run_scoped3A : memref<!tpu.dma_semaphore, #tpu.memory_space<semaphore_mem>>)
        %dma_wait3A = arith.constant 0 : i32
        %dma_wait3A_53 = arith.constant 0 : i32
        %dma_wait3A_54 = tpu.memref_slice %arg8[%dma_wait3A, %dma_wait3A_53] : memref<24x128xf32, #tpu.memory_space<vmem>> -> memref<16x128xf32, #tpu.memory_space<vmem>>
        %dma_wait3A_55 = arith.constant 9984 : i32
        %dma_wait3A_56 = arith.constant 0 : i32
        %dma_wait3A_57 = tpu.memref_slice %arg9[%dma_wait3A_55, %dma_wait3A_56] : memref<10000x128xf32, #tpu.memory_space<vmem_shared>> -> memref<16x128xf32, #tpu.memory_space<vmem_shared>>
        %dma_wait3A_58 = arith.constant 0 : i32
        %dma_wait3A_59 = arith.constant 0 : i32
        %dma_wait3A_60 = tpu.memref_slice %arg8[%dma_wait3A_58, %dma_wait3A_59] : memref<24x128xf32, #tpu.memory_space<vmem>> -> memref<16x128xf32, #tpu.memory_space<vmem>>
        %dma_wait3A_61 = arith.constant 9984 : i32
        %dma_wait3A_62 = arith.constant 0 : i32
        %dma_wait3A_63 = tpu.memref_slice %arg9[%dma_wait3A_61, %dma_wait3A_62] : memref<10000x128xf32, #tpu.memory_space<vmem_shared>> -> memref<16x128xf32, #tpu.memory_space<vmem_shared>>
        tpu.wait_dma2 semaphore(%run_scoped3A : memref<!tpu.dma_semaphore, #tpu.memory_space<semaphore_mem>>) src(%dma_wait3A_63 : memref<16x128xf32, #tpu.memory_space<vmem_shared>>) dst(%dma_wait3A_60 : memref<16x128xf32, #tpu.memory_space<vmem>>)
        tpu.yield
      }) : () -> ()
      "tpu.region"() ({
        %run_scoped3A = tpu.sem_alloc : memref<!tpu.dma_semaphore, #tpu.memory_space<semaphore_mem>>
        %dma_start3A = arith.constant 0 : i32
        %dma_start3A_42 = arith.constant 0 : i32
        %dma_start3A_43 = tpu.memref_slice %arg8[%dma_start3A, %dma_start3A_42] : memref<24x128xf32, #tpu.memory_space<vmem>> -> memref<16x128xf32, #tpu.memory_space<vmem>>
        %dma_start3A_44 = arith.constant 9984 : i32
        %dma_start3A_45 = arith.constant 0 : i32
        %dma_start3A_46 = tpu.memref_slice %arg3[%arg0, %dma_start3A_44, %dma_start3A_45] : memref<2x10000x128xf32, #tpu.memory_space<hbm>> -> memref<1x16x128xf32, #tpu.memory_space<hbm>>
        %dma_start3A_47 = tpu.memref_squeeze %dma_start3A_46 : memref<1x16x128xf32, #tpu.memory_space<hbm>> -> memref<16x128xf32, #tpu.memory_space<hbm>>
        %dma_start3A_48 = arith.constant 9984 : i32
        %dma_start3A_49 = arith.constant 0 : i32
        %dma_start3A_50 = tpu.memref_slice %arg3[%arg0, %dma_start3A_48, %dma_start3A_49] : memref<2x10000x128xf32, #tpu.memory_space<hbm>> -> memref<1x16x128xf32, #tpu.memory_space<hbm>>
        %dma_start3A_51 = tpu.memref_squeeze %dma_start3A_50 : memref<1x16x128xf32, #tpu.memory_space<hbm>> -> memref<16x128xf32, #tpu.memory_space<hbm>>
        %dma_start3A_52 = arith.constant 0 : i32
        %dma_start3A_53 = arith.constant 0 : i32
        %dma_start3A_54 = tpu.memref_slice %arg8[%dma_start3A_52, %dma_start3A_53] : memref<24x128xf32, #tpu.memory_space<vmem>> -> memref<16x128xf32, #tpu.memory_space<vmem>>
        tpu.enqueue_dma source(%dma_start3A_54 : memref<16x128xf32, #tpu.memory_space<vmem>>) target(%dma_start3A_51 : memref<16x128xf32, #tpu.memory_space<hbm>>) target_semaphore(%run_scoped3A : memref<!tpu.dma_semaphore, #tpu.memory_space<semaphore_mem>>)
        %dma_wait3A = arith.constant 0 : i32
        %dma_wait3A_55 = arith.constant 0 : i32
        %dma_wait3A_56 = tpu.memref_slice %arg8[%dma_wait3A, %dma_wait3A_55] : memref<24x128xf32, #tpu.memory_space<vmem>> -> memref<16x128xf32, #tpu.memory_space<vmem>>
        %dma_wait3A_57 = arith.constant 9984 : i32
        %dma_wait3A_58 = arith.constant 0 : i32
        %dma_wait3A_59 = tpu.memref_slice %arg3[%arg0, %dma_wait3A_57, %dma_wait3A_58] : memref<2x10000x128xf32, #tpu.memory_space<hbm>> -> memref<1x16x128xf32, #tpu.memory_space<hbm>>
        %dma_wait3A_60 = tpu.memref_squeeze %dma_wait3A_59 : memref<1x16x128xf32, #tpu.memory_space<hbm>> -> memref<16x128xf32, #tpu.memory_space<hbm>>
        %dma_wait3A_61 = arith.constant 9984 : i32
        %dma_wait3A_62 = arith.constant 0 : i32
        %dma_wait3A_63 = tpu.memref_slice %arg3[%arg0, %dma_wait3A_61, %dma_wait3A_62] : memref<2x10000x128xf32, #tpu.memory_space<hbm>> -> memref<1x16x128xf32, #tpu.memory_space<hbm>>
        %dma_wait3A_64 = tpu.memref_squeeze %dma_wait3A_63 : memref<1x16x128xf32, #tpu.memory_space<hbm>> -> memref<16x128xf32, #tpu.memory_space<hbm>>
        %dma_wait3A_65 = arith.constant 0 : i32
        %dma_wait3A_66 = arith.constant 0 : i32
        %dma_wait3A_67 = tpu.memref_slice %arg8[%dma_wait3A_65, %dma_wait3A_66] : memref<24x128xf32, #tpu.memory_space<vmem>> -> memref<16x128xf32, #tpu.memory_space<vmem>>
        tpu.wait_dma2 semaphore(%run_scoped3A : memref<!tpu.dma_semaphore, #tpu.memory_space<semaphore_mem>>) src(%dma_wait3A_67 : memref<16x128xf32, #tpu.memory_space<vmem>>) dst(%dma_wait3A_64 : memref<16x128xf32, #tpu.memory_space<hbm>>)
        tpu.yield
      }) : () -> ()
    } else {
    }
    return
  }
}

module attributes {stable_mosaic.version = 14 : i64} {
  func.func @body(%arg0: i32, %arg1: memref<2x400x128xf32, #tpu.memory_space<vmem>>, %arg2: memref<2x400x128xf32, #tpu.memory_space<vmem>>, %arg3: memref<400x128xf32, #tpu.memory_space<vmem>>, %arg4: memref<128x128xf32, #tpu.memory_space<vmem>>, %arg5: memref<1x128xf32, #tpu.memory_space<vmem>>, %arg6: memref<400x128xf32, #tpu.memory_space<vmem>>) attributes {dimension_semantics = [#tpu.dimension_semantics<arbitrary>], iteration_bounds = array<i64: 25>, scalar_prefetch = 0 : i64, scratch_operands = 0 : i64, tpu.core_type = #tpu.core_type<tc>, window_params = [{transform_indices = @transform_0, window_bounds = array<i64: 2, 400, 128>}, {transform_indices = @transform_1, window_bounds = array<i64: 2, 400, 128>}, {transform_indices = @transform_2, window_bounds = array<i64: 400, 128>}, {pipeline_mode = #tpu.pipeline_mode<synchronous>, transform_indices = @transform_3, window_bounds = array<i64: 128, 128>}, {pipeline_mode = #tpu.pipeline_mode<synchronous>, transform_indices = @transform_4, window_bounds = array<i64: 1, 128>}, {transform_indices = @transform_5, window_bounds = array<i64: 400, 128>}]} {
    %get3A = arith.constant 0 : index
    %get3A_0 = arith.constant 0 : index
    %get3A_1 = arith.constant 0 : index
    %get3A_2 = vector.load %arg1[%get3A, %get3A_0, %get3A_1] : memref<2x400x128xf32, #tpu.memory_space<vmem>>, vector<1x400x128xf32>
    %get3A_3 = vector.shape_cast %get3A_2 : vector<1x400x128xf32> to vector<400x128xf32>
    %get3A_4 = arith.constant 1 : index
    %get3A_5 = arith.constant 0 : index
    %get3A_6 = arith.constant 0 : index
    %get3A_7 = vector.load %arg1[%get3A_4, %get3A_5, %get3A_6] : memref<2x400x128xf32, #tpu.memory_space<vmem>>, vector<1x400x128xf32>
    %get3A_8 = vector.shape_cast %get3A_7 : vector<1x400x128xf32> to vector<400x128xf32>
    %add3A = arith.addf %get3A_3, %get3A_8 : vector<400x128xf32>
    %get3A_9 = arith.constant 0 : index
    %get3A_10 = arith.constant 0 : index
    %get3A_11 = arith.constant 0 : index
    %get3A_12 = vector.load %arg2[%get3A_9, %get3A_10, %get3A_11] : memref<2x400x128xf32, #tpu.memory_space<vmem>>, vector<1x400x1xf32>
    %get3A_13 = vector.shape_cast %get3A_12 : vector<1x400x1xf32> to vector<400x1xf32>
    %get3A_14 = arith.constant 1 : index
    %get3A_15 = arith.constant 0 : index
    %get3A_16 = arith.constant 0 : index
    %get3A_17 = vector.load %arg2[%get3A_14, %get3A_15, %get3A_16] : memref<2x400x128xf32, #tpu.memory_space<vmem>>, vector<1x400x1xf32>
    %get3A_18 = vector.shape_cast %get3A_17 : vector<1x400x1xf32> to vector<400x1xf32>
    %add3A_19 = arith.addf %get3A_13, %get3A_18 : vector<400x1xf32>
    %max3A = arith.constant 1.000000e+00 : f32
    %max3A_20 = vector.broadcast %max3A : f32 to vector<400x1xf32>
    %max3A_21 = arith.maximumf %add3A_19, %max3A_20 : vector<400x1xf32>
    %div3A = vector.broadcast %max3A_21 : vector<400x1xf32> to vector<400x128xf32>
    %div3A_22 = arith.divf %add3A, %div3A : vector<400x128xf32>
    %get3A_23 = arith.constant 0 : index
    %get3A_24 = arith.constant 0 : index
    %get3A_25 = vector.load %arg3[%get3A_23, %get3A_24] : memref<400x128xf32, #tpu.memory_space<vmem>>, vector<400x128xf32>
    %add3A_26 = arith.addf %div3A_22, %get3A_25 : vector<400x128xf32>
    %get3A_27 = arith.constant 0 : index
    %get3A_28 = arith.constant 0 : index
    %get3A_29 = vector.load %arg4[%get3A_27, %get3A_28] : memref<128x128xf32, #tpu.memory_space<vmem>>, vector<128x128xf32>
    %dot_general3A = arith.constant dense<0.000000e+00> : vector<400x128xf32>
    %dot_general3A_30 = tpu.matmul %add3A_26, %get3A_29, %dot_general3A {dimension_numbers = #tpu.dot_dimension_numbers<[1], [0], [0], [1], [0, 0, 1, 1], [], []>, transpose_lhs_hint = false} : vector<400x128xf32>, vector<128x128xf32>, vector<400x128xf32> -> vector<400x128xf32>
    %get3A_31 = arith.constant 0 : index
    %get3A_32 = arith.constant 0 : index
    %get3A_33 = vector.load %arg5[%get3A_31, %get3A_32] : memref<1x128xf32, #tpu.memory_space<vmem>>, vector<1x128xf32>
    %add3A_34 = vector.broadcast %get3A_33 : vector<1x128xf32> to vector<400x128xf32>
    %add3A_35 = arith.addf %dot_general3A_30, %add3A_34 : vector<400x128xf32>
    %swap3A = arith.constant 0 : index
    %swap3A_36 = arith.constant 0 : index
    %swap3A_37 = vector.load %arg6[%swap3A, %swap3A_36] : memref<400x128xf32, #tpu.memory_space<vmem>>, vector<400x128xf32>
    tpu.vector_store %arg6[%swap3A, %swap3A_36], %add3A_35 {strides = array<i32>} : memref<400x128xf32, #tpu.memory_space<vmem>>, vector<400x128xf32>,
    return
  }
  func.func @transform_0(%arg0: i32) -> (i32, i32, i32) {
    %c0_i32 = arith.constant 0 : i32
    %c0_i32_0 = arith.constant 0 : i32
    %c0_i32_1 = arith.constant 0 : i32
    return %c0_i32, %arg0, %c0_i32_0 : i32, i32, i32
  }
  func.func @transform_1(%arg0: i32) -> (i32, i32, i32) {
    %c0_i32 = arith.constant 0 : i32
    %c0_i32_0 = arith.constant 0 : i32
    %c0_i32_1 = arith.constant 0 : i32
    return %c0_i32, %arg0, %c0_i32_0 : i32, i32, i32
  }
  func.func @transform_2(%arg0: i32) -> (i32, i32) {
    %c0_i32 = arith.constant 0 : i32
    %c0_i32_0 = arith.constant 0 : i32
    return %arg0, %c0_i32 : i32, i32
  }
  func.func @transform_3(%arg0: i32) -> (i32, i32) {
    %c0_i32 = arith.constant 0 : i32
    %c0_i32_0 = arith.constant 0 : i32
    %c0_i32_1 = arith.constant 0 : i32
    return %c0_i32, %c0_i32_0 : i32, i32
  }
  func.func @transform_4(%arg0: i32) -> (i32, i32) {
    %c0_i32 = arith.constant 0 : i32
    %c0_i32_0 = arith.constant 0 : i32
    %c0_i32_1 = arith.constant 0 : i32
    return %c0_i32, %c0_i32_0 : i32, i32
  }
  func.func @transform_5(%arg0: i32) -> (i32, i32) {
    %c0_i32 = arith.constant 0 : i32
    %c0_i32_0 = arith.constant 0 : i32
    return %arg0, %c0_i32 : i32, i32
  }
}

</mosaic_0001>

<sc_bundles>
// kernel: kernel.5.cloned.1.call-start
scs
__scs_entry_jumppad:
0x0: {  	(pc) =	sbr.rel $0x88, $3  }
0x1: {  	(tag) =	ssettag $0x0;
	lr =	simm.s32 $0x1  }
0x2: {  	[smem:$0x3F9C] =	sst lr;
	_ =	strace $0xD0000000  }
0x3: {  	_ = 	snop  }
0x4: {  	_ = 	snop  }
0x5: {  	_ = 	snop  }
0x6: {  	_ = 	snop  }
0x7: {  	_ = 	snop  }
__scs_overlays_trampoline_lowered:
0x8: {  	[smem:$0x3FAB] =	sst s0  }
0x9: {  	[smem:$0x3FAC] =	sst s1  }
0xa: {  	[smem:$0x3FAD] =	sst s2  }
0xb: {  	[smem:$0x3FAE] =	sst s3  }
0xc: {  	[smem:$0x3FAF] =	sst s4  }
0xd: {  	[smem:$0x3FB0] =	sst s5  }
0xe: {  	[smem:$0x3FB1] =	sst s6  }
0xf: {  	[smem:$0x3FB2] =	sst s7  }
0x10: {  	[smem:$0x3FB3] =	sst s8  }
0x11: {  	[smem:$0x3FB4] =	sst s9;
	s0 =	simm.s32 @!p0 $0x0  }
0x12: {  	s1 =	sld [smem:$0x3F9A];
	s0 =	simm.s32 @p0 $0x1  }
0x13: {  	[smem:$0x3FB5] =	sst s0;
	s0 =	simm.s32 @!p1 $0x0  }
0x14: {  	s2 =	sld [smem:$0x3F99];
	s0 =	simm.s32 @p1 $0x1  }
0x15: {  	[smem:$0x3FB6] =	sst s0;
	s0 =	simm.s32 @!p2 $0x0  }
0x16: {  	s3 =	sld [smem:$0x3FDB];
	s0 =	simm.s32 @p2 $0x1  }
0x17: {  	s4 =	simm.s32 $0x1BF5;
	[smem:$0x3FB8] =	sst s0  }
0x18: {  	s0 =	sld [smem:$0x3F9B];
	_ =	swait.ge [sflag:s4], $0x0  }
0x19: {  	s7 =	sld [smem:$0x3F9C]  }
0x1a: {  	s8 =	sadd.s32 $0xFFFFE003, lr  }
0x1b: {  	s9 =	sadd.s32 $0xFFFFFEF7, lr;
	s5 =	simm.s32 $0xFFFFFFFF;
	p2 =	slt.u32 s8, $0xFFFFF086  }
0x1c: {  	p1 =	slt.u32 s9, $0xF7A;
	s5 =	simm.s32 @!p2 $0x0  }
0x1d: {  	s5 =	simm.s32 @p1 $0x1;
	p0 =	seq.s32 s7, s2  }
0x1e: {  	s7 =	smul.u32 @!p0 $0xF7A, s2;
	p2 =	seq.s32 @!p0 s5, $0x0  }
0x1f: {  	s9 =	smul.u32 $0xF7A, s1;
	s8 =	simm.s32 @!p0 $0x1BF5;
	p2 =	por !p2, p0  }
0x20: {  	[sflag:s8] =	ssyncset.s32 @!p0 $0xFFFFF086;
	s6 =	sadd.s32 @!p0 s3, s7;
	s7 =	simm.s32 @!p0 $0x108  }
0x21: {  	s3 =	sadd.s32 s3, s9;
	s6 =	sadd.s32 @!p0 $0x88, s6;
	s7 =	simm.s32 @p2 $0x1082  }
0x22: {  	[simem:s7], [sflag:s8] =	dma.local @!p0 [hbm:s6], $0xF7A  }
0x23: {  	s9 =	sor.u32 $0xD0000000, s2;
	s6 =	simm.s32 $0x108;
	_ =	swait.ge @!p0 [sflag:s8], $0x0  }
0x24: {  	s3 =	sadd.s32 $0x88, s3;
	s6 =	simm.s32 @!p1 $0x1082;
	[sflag:s4] =	ssyncset.s32 $0xFFFFF086  }
0x25: {  	[simem:s6], [sflag:s4] =	dma.local [hbm:s3], $0xF7A  }
0x26: {  	[smem:$0x3F9C] =	sst s1;
	(tag) =	ssettag s2;
	_ =	strace s9  }
0x27: {  	s1 =	sld [smem:$0x3FAC]  }
0x28: {  	s2 =	sld [smem:$0x3FAD]  }
0x29: {  	s4 =	sld [smem:$0x3FAF]  }
0x2a: {  	p0 =	seq.s32 s5, $0x0;
	s5 =	sld [smem:$0x3FB0]  }
0x2b: {  	s6 =	sld [smem:$0x3FB1]  }
0x2c: {  	s7 =	sld [smem:$0x3FB2]  }
0x2d: {  	s3 =	simm.s32 $0x108;
	s8 =	sld [smem:$0x3FB3]  }
0x2e: {  	s3 =	simm.s32 @!p0 $0x1082;
	s9 =	sld [smem:$0x3FB4]  }
0x2f: {  	lr =	sadd.s32 s0, s3;
	s0 =	sld [smem:$0x3FAB]  }
0x30: {  	s3 =	sld [smem:$0x3FAE]  }
0x31: {  	[smem:$0x3FB7] =	sst s10  }
0x32: {  	s10 =	sld [smem:$0x3FB5];
	_ =	sdelay $0x3  }
0x33: {  	p0 =	seq.s32 s10, $0x1;
	s10 =	sld [smem:$0x3FB7];
	_ =	sdelay $0x3  }
0x34: {  	[smem:$0x3FB7] =	sst s10  }
0x35: {  	s10 =	sld [smem:$0x3FB6];
	_ =	sdelay $0x3  }
0x36: {  	p1 =	seq.s32 s10, $0x1;
	s10 =	sld [smem:$0x3FB7];
	_ =	sdelay $0x3  }
0x37: {  	[smem:$0x3FB7] =	sst s10  }
0x38: {  	s10 =	sld [smem:$0x3FB8]  }
0x39: {  	_ = 	snop;
	(pc) =	sbr.ind lr, $3  }
0x3a: {  	_ = 	snop  }
0x3b: {  	_ = 	snop  }
0x3c: {  	p2 =	seq.s32 s10, $0x1;
	s10 =	sld [smem:$0x3FB7]  }
0x3d: {  	_ =	shalt  }
0x3e: {  	_ =	shalt  }
0x3f: {  	_ =	shalt  }
0x40: {  	_ =	shalt  }
0x41: {  	_ =	shalt  }
0x42: {  	_ =	shalt  }
0x43: {  	_ =	shalt  }
0x44: {  	_ =	shalt  }
0x45: {  	_ =	shalt  }
0x46: {  	_ =	shalt  }
0x47: {  	_ =	shalt  }
0x48: {  	_ =	shalt  }
0x49: {  	_ =	shalt  }
0x4a: {  	_ =	shalt  }
0x4b: {  	_ =	shalt  }
0x4c: {  	_ =	shalt  }
0x4d: {  	_ =	shalt  }
0x4e: {  	_ =	shalt  }
0x4f: {  	_ =	shalt  }
0x50: {  	_ =	shalt  }
0x51: {  	_ =	shalt  }
0x52: {  	_ =	shalt  }
0x53: {  	_ =	shalt  }
0x54: {  	_ =	shalt  }
0x55: {  	_ =	shalt  }
0x56: {  	_ =	shalt  }
0x57: {  	_ =	shalt  }
0x58: {  	_ =	shalt  }
0x59: {  	_ =	shalt  }
0x5a: {  	_ =	shalt  }
0x5b: {  	_ =	shalt  }
0x5c: {  	_ =	shalt  }
0x5d: {  	_ =	shalt  }
0x5e: {  	_ =	shalt  }
0x5f: {  	_ =	shalt  }
0x60: {  	_ =	shalt  }
0x61: {  	_ =	shalt  }
0x62: {  	_ =	shalt  }
0x63: {  	_ =	shalt  }
0x64: {  	_ =	shalt  }
0x65: {  	_ =	shalt  }
0x66: {  	_ =	shalt  }
0x67: {  	_ =	shalt  }
0x68: {  	_ =	shalt  }
0x69: {  	_ =	shalt  }
0x6a: {  	_ =	shalt  }
0x6b: {  	_ =	shalt  }
0x6c: {  	_ =	shalt  }
0x6d: {  	_ =	shalt  }
0x6e: {  	_ =	shalt  }
0x6f: {  	_ =	shalt  }
0x70: {  	_ =	shalt  }
0x71: {  	_ =	shalt  }
0x72: {  	_ =	shalt  }
0x73: {  	_ =	shalt  }
0x74: {  	_ =	shalt  }
0x75: {  	_ =	shalt  }
0x76: {  	_ =	shalt  }
0x77: {  	_ =	shalt  }
0x78: {  	_ =	shalt  }
0x79: {  	_ =	shalt  }
0x7a: {  	_ =	shalt  }
0x7b: {  	_ =	shalt  }
0x7c: {  	_ =	shalt  }
0x7d: {  	_ =	shalt  }
0x7e: {  	_ =	shalt  }
0x7f: {  	_ =	shalt  }
0x80: {  	_ =	shalt  }
0x81: {  	_ =	shalt  }
0x82: {  	_ =	shalt  }
0x83: {  	_ =	shalt  }
0x84: {  	_ =	shalt  }
0x85: {  	_ =	shalt  }
0x86: {  	_ =	shalt  }
0x87: {  	_ =	shalt  }
.Lfunc_end0:
.L_simem_size_0:
called_computation_lowered:
.L_overlay_start_0:
0x88: {  	s2 =	sld [smem:$0x3FD9]  }
0x89: {  	s3 =	sld [smem:$0x3FFE];
	_ =	sdelay $0x1  }
0x8a: {  	s1 =	srdreg.scid  }
0x8b: {  	s0 =	sand.u32 $0x1, s1  }
0x8c: {  	s17 =	sshll.u32 s0, $0xA;
	s2 =	sadd.s32 s3, s2  }
0x8d: {  	s2 =	sadd.s32 s2, s17  }
0x8e: {  	[smem:$0x3FC3] =	sst s2  }
0x8f: {  	_ = 	snop  }
0x90: {  	s2 =	sld [smem:$0x3FC8]  }
0x91: {  	s18 =	sld [smem:$0x3FC7];
	(tm) =	ssettm $0x1  }
0x92: {  	s4 =	sld [smem:$0x3FFB];
	_ =	sdelay $0x3  }
0x93: {  	_ =	strace s4  }
0x94: {  	s4 =	sld [smem:$0x3FFC];
	_ =	sdelay $0x3  }
0x95: {  	_ =	strace s4  }
0x96: {  	s4 =	sld [smem:$0x3FFD];
	_ =	sdelay $0x3  }
0x97: {  	_ =	strace s4  }
0x98: {  	_ =	strace $0x8FFFFFFF  }
0x99: {  	s19 =	sld [smem:$0x3FDB];
	_ =	sdelay $0x1  }
0x9a: {  	s5 =	simm.s32 $_scs_section_size  }
0x9b: {  	s6 =	simm.s32 $_size__tile_overlayer_lowered;
	s7 =	simm.s32 $_tile_overlayer_lowered  }
0x9c: {  	s22 =	simm.s32 $0x1BFF;
	s21 =	sshll.u32 s7, $0x1;
	s4 =	sadd.s32 s5, s19  }
0x9d: {  	s8 =	simm.s32 $0x0;
	s20 =	sshll.u32 s6, $0x1;
	s6 =	sadd.s32 s21, s4  }
0x9e: {  	[timem:s8], [sflag:s22] =	dma.local [hbm:s6], s20  }
0x9f: {  	_ =	swait.ge [sflag:s22], s20  }
0xa0: {  	s5 =	ssub.s32 $0x0, s20;
	[sflag:s22] =	ssyncset.done $0x0  }
0xa1: {  	[sflag:s22] =	ssyncadd.s32 s5;
	_ =	sdelay $0x1  }
0xa2: {  	s23 =	simm.s32 $0x1B8B  }
0xa3: {  	_ =	swait.ge [sflag:s23], $0x1  }
0xa4: {  	[sflag:s23] =	ssyncset.done $0x0  }
0xa5: {  	s25 =	simm.s32 $0x1B8E;
	s24 =	sld [smem:$0x3FFE];
	[sflag:s23] =	ssyncadd.s32 $0xFFFFFFFF  }
0xa6: {  	s26 =	simm.s32 $execute0_lowered;
	[smem:$0x3FD2] =	sst s25  }
0xa7: {  	s6 =	sshll.u32 s26, $0x1;
	_ =	strace $0x80000046;
	[dreg:$0x1] =	wrdreg $0xFFFFFFFF  }
0xa8: {  	s28 =	simm.s32 $_size_execute0_lowered;
	s4 =	sadd.s32 s4, s6;
	[dreg:$0x0] =	wrdreg $0x0  }
0xa9: {  	s6 =	sshll.u32 s28, $0x1;
	[dreg:$0x2] =	wrdreg s4  }
0xaa: {  	[dreg:$0x3] =	wrdreg s6  }
0xab: {  	[dreg:$0x4] =	wrdreg $0xC0  }
0xac: {  	_ =	task [dreg:s8], $0x5FFFF  }
0xad: {  	[dreg:$0x1] =	wrdreg $0xFFFFFFFF  }
0xae: {  	[dreg:$0x0] =	wrdreg $0x60  }
0xaf: {  	[dreg:$0x2] =	wrdreg s2  }
0xb0: {  	[dreg:$0x3] =	wrdreg s18  }
0xb1: {  	[dreg:$0x4] =	wrdreg s24  }
0xb2: {  	[dreg:$0x5] =	wrdreg $0x29000  }
0xb3: {  	[dreg:$0x6] =	wrdreg $0x9  }
0xb4: {  	_ =	task.clear_ibuf [dreg:s8], $0x7FFFF;
	_ =	strace $0x90000046  }
0xb5: {  	s29 =	simm.s32 $0x9;
	_ =	strace $0x80000048  }
0xb6: {  	_ =	swait.ge [sflag:s29], $0x1  }
0xb7: {  	[sflag:s29] =	ssyncadd.s32 $0xFFFFFFFF  }
0xb8: {  	_ =	strace $0x90000048  }
0xb9: {  	_ =	sfence  }
0xba: {  	s30 =	sld [smem:$0x0];
	_ =	sdelay $0x2  }
0xbb: {  	s31 =	sshll.u32 s1, $0xD;
	s1 =	sshrl.u32 s1, $0x2  }
0xbc: {  	s3 =	sand.u32 $0x4000, s31;
	s1 =	sadd.s32 s1, s30  }
0xbd: {  	s0 =	sor.u32 s3, s0;
	s1 =	sshll.u32 s1, $0x11  }
0xbe: {  	s0 =	sor.u32 s1, s0  }
0xbf: {  	s0 =	sadd.s32 $0x8F2B, s0  }
0xc0: {  	[sflag:s0] =	ssyncadd.remote.s32 $0x1  }
0xc1: {  	_ =	sfence.sel $0xFFFF  }
0xc2: {  	[dreg:$0x0] =	wrdreg $0xFFFFFFFF;
	(pc) =	sbr.abs _section_cstart, $3  }
0xc3: {  	[dreg:$0x1] =	wrdreg $0xFFFFFFFF  }
0xc4: {  	_ =	task.clear_ibuf [dreg:s8], $0x2FFFF;
	_ =	strace $0x9FFFFFFF  }
0xc5: {  	(tm) =	ssettm $0x7FFFFFFF  }
tec
execute0_lowered:
.L_overlay_start_1:
0x0: {  	(tag) =	ssettag $0x1  }
0x1: {  	s9 =	rddreg [dreg:$0x0]  }
0x2: {  	s10 =	rddreg [dreg:$0x1]  }
0x3: {  	s4 =	srdreg.scid;
	s1 =	stileid.u32  }
0x4: {  	s5 =	rddreg [dreg:$0x2];
	s6 =	sand.u32 $0x1, s4;
	s4 =	smul.u32 $0x280, s1  }
0x5: {  	s2 =	rddreg [dreg:$0x3];
	s14 =	smul.u32 $0x27100, s1  }
0x6: {  	s0 =	rddreg [dreg:$0x4];
	s16 =	smul.u32 $0x2710, s1  }
0x7: {  	s3 =	simm.s32 $0x0;
	s18 =	simm.s32 $0x28;
	s17 =	smul.u32 $0x13800, s1  }
0x8: {  	s19 =	simm.s32 $0x1D00;
	s20 =	simm.s32 $0x0;
	s30 =	smul.u32 $0x4E000, s1  }
0x9: {  	[smem:$0x7FF] =	sst s3;
	s12 =	sadd.s32 $0x1000, s5;
	s11 =	smul.u32 $0x138800, s6  }
0xa: {  	p0 =	seq.s32 s1, $0xF;
	s5 =	simm.s32 $0x19;
	s13 =	smul.u32 $0x271000, s6  }
0xb: {  	_ =	strace $0x80000047;
	s7 =	ssub.s32 $0x2, s6;
	s15 =	smul.u32 $0x27100, s6  }
0xc: {  	s5 =	simm.s32 @!p0 $0x28;
	s6 =	sadd.s32 $0x138000, s2;
	s28 =	sshrl.u32 s7, $0x1  }
0xd: {  	p0 =	sne.s32 s1, $0xF;
	s8 =	ssub.s32 s7, s28;
	s29 =	sshrl.u32 s11, $0x3  }
0xe: {  	s9 =	sadd.s32 s13, s9;
	s31 =	sadd.s32 s16, s15;
	s11 =	sadd.s32 s17, s11  }
0xf: {  	s13 =	sshrl.u32 s30, $0x2;
	s15 =	simm.s32 $0x1480;
	s16 =	simm.s32 $0x1  }
0x10: {  	s17 =	simm.s32 $0x80;
	s7 =	sadd.s32 s12, s29;
	s8 =	smax.u32 s8, $0x1  }
0x11: {  	s9 =	sadd.s32 s14, s9;
	s14 =	sshrl.u32 s31, $0x3;
	s11 =	sshrl.u32 s11, $0x3  }
0x12: {  	s7 =	sadd.s32 $0x27000, s7;
	s10 =	sadd.s32 s14, s10;
	s11 =	sadd.s32 s11, s12  }
0x13: {  	v0 =	vimm.f32 $0.0e+00;
	v1 =	vlaneseq.u32;
	s12 =	sadd.s32 s13, s2;
	s13 =	simm.s32 $0x10;
	s14 =	simm.s32 $0x1C80  }
.LBB2_1:
0x14: {  	s21 =	sand.u32 $0x1E00, s3  }
0x15: {  	s22 =	sand.u32 $0x70, s3;
	s23 =	sshrl.u32 s21, $0x2  }
0x16: {  	s21 =	simm.s32 $0x40;
	s23 =	sor.u32 s22, s23;
	s22 =	simm.s32 $0x0  }
.LBB2_2:
0x17: {  	p1 =	sne.s32 s21, $0x1FC0  }
0x18: {  	[tilespmem:s23+$0x1480] =	vst v0;
	s22 =	sadd.s32 $0x10, s22;
	s23 =	smov.u32 s21;
	s21 =	sadd.s32 $0x40, s21  }
.Ltmp0:
0x19: {  	(pc) =	sbr.rel @p1 .LBB2_2-.Ltmp0, $4  }
0x1a: {  	_ = 	snop  }
0x1b: {  	s23 =	sand.u32 $0x1E00, s23  }
0x1c: {  	s24 =	sand.u32 $0x70, s22;
	s23 =	sshrl.u32 s23, $0x2  }
0x1d: {  	s23 =	sor.u32 s24, s23  }
0x1e: {  	p1 =	sne.s32 s5, $0x1  }
.Ltmp1:
0x1f: {  	[tilespmem:s23+$0x1480] =	vst v0;
	v2 =	vor.u32 s4, v1;
	(pc) =	sbr.rel @!p1 .LBB2_5-.Ltmp1, $4  }
0x20: {  	[tilespmem:$0x1C80] =	vst v2  }
0x21: {  	[spmem:s2] =	stream.indirect.scatter [tilespmem:s15], [sflag:$0x1], $0x80, s14, s13, $0xb8;
	[tilespmem:$0x16180] =	vst v63  }
0x22: {  	_ =	swait.ge [sflag:s16], $0x800  }
0x23: {  	s21 =	sadd.s32 $0xFFFFFFFF, s5;
	s22 =	sadd.s32 $0x10, s4;
	[sflag:s16] =	ssyncset.done $0x0  }
.LBB2_4:
0x24: {  	v2 =	vor.u32 s22, v1;
	[sflag:s16] =	ssyncadd.s32 $0xFFFFF800;
	p1 =	sne.s32 s21, $0x1  }
.Ltmp2:
0x25: {  	[tilespmem:$0x1C80] =	vst v2;
	(pc) =	sbr.rel @p1 .LBB2_4-.Ltmp2, $4  }
0x26: {  	[spmem:s2] =	stream.indirect.scatter [tilespmem:s15], [sflag:$0x1], $0x80, s14, s13, $0xb8;
	[tilespmem:$0x16180] =	vst v63  }
0x27: {  	s21 =	sadd.s32 $0xFFFFFFFF, s21  }
0x28: {  	_ =	swait.ge [sflag:s16], $0x800  }
0x29: {  	s22 =	sadd.s32 $0x10, s22;
	[sflag:s16] =	ssyncset.done $0x0  }
.LBB2_5:
0x2a: {  	[sflag:s16] =	ssyncadd.s32 $0xFFFFF800  }
0x2b: {  	s21 =	sadd.s32 $0x0, s10;
	[bflag:$0x0] =	sbarrier.arrive $0xFFFF  }
0x2c: {  	[tilespmem:s3], [sflag:$0x1] =	stream.linear.gather [hbm4b:s21+s3], $0x28, $0x38;
	[tilespmem:$0x16180] =	vst v63  }
0x2d: {  	_ =	swait.ge [sflag:s16], $0x28  }
0x2e: {  	[sflag:s16] =	ssyncset.done $0x0  }
0x2f: {  	[sflag:s16] =	ssyncadd.s32 $0xFFFFFFD8  }
0x30: {  	[tilespmem:s17], [sflag:$0x1] =	stream.linear.gather [hbm4b:s9+s3], $0x1400, $0x38;
	[tilespmem:$0x16180] =	vst v63  }
0x31: {  	_ =	swait.ge [sflag:s16], $0x1400  }
0x32: {  	[sflag:s16] =	ssyncset.done $0x0  }
0x33: {  	[sflag:s16] =	ssyncadd.s32 $0xFFFFEC00  }
0x34: {  	[spmem:s2] =	stream.indirect.scatter.add.f32 [tilespmem:s17], [sflag:$0x1], $0x80, s3, s18, $0xb8;
	[tilespmem:$0x16180] =	vst v63  }
0x35: {  	s22 =	simm.s32 $0x5;
	_ =	swait.ge [sflag:s16], $0x1400  }
0x36: {  	s23 =	simm.s32 $0xA;
	s21 =	sadd.s32 $0x280, s9;
	[sflag:s16] =	ssyncset.done $0x0  }
.LBB2_6:
0x37: {  	s24 =	sadd.s32 s22, s10  }
0x38: {  	[sflag:s16] =	ssyncadd.s32 $0xFFFFEC00;
	s22 =	smov.u32 s23;
	s25 =	sadd.s32 $0x5, s23  }
0x39: {  	[tilespmem:s3], [sflag:$0x1] =	stream.linear.gather [hbm4b:s24+s3], $0x28, $0x38;
	[tilespmem:$0x16180] =	vst v63  }
0x3a: {  	p1 =	sne.s32 s23, $0x4DD;
	_ =	swait.ge [sflag:s16], $0x28  }
0x3b: {  	[sflag:s16] =	ssyncset.done $0x0  }
0x3c: {  	[sflag:s16] =	ssyncadd.s32 $0xFFFFFFD8  }
0x3d: {  	[tilespmem:s17], [sflag:$0x1] =	stream.linear.gather [hbm4b:s21+s3], $0x1400, $0x38;
	[tilespmem:$0x16180] =	vst v63  }
0x3e: {  	_ =	swait.ge [sflag:s16], $0x1400  }
.Ltmp3:
0x3f: {  	[sflag:s16] =	ssyncset.done $0x0;
	(pc) =	sbr.rel @p1 .LBB2_6-.Ltmp3, $4  }
0x40: {  	[sflag:s16] =	ssyncadd.s32 $0xFFFFEC00  }
0x41: {  	[spmem:s2] =	stream.indirect.scatter.add.f32 [tilespmem:s17], [sflag:$0x1], $0x80, s3, s18, $0xb8;
	[tilespmem:$0x16180] =	vst v63  }
0x42: {  	_ =	swait.ge [sflag:s16], $0x1400  }
0x43: {  	s23 =	smov.u32 s25;
	s21 =	sadd.s32 $0x280, s21;
	[sflag:s16] =	ssyncset.done $0x0  }
0x44: {  	s22 =	sadd.s32 s22, s10;
	[sflag:s16] =	ssyncadd.s32 $0xFFFFEC00  }
0x45: {  	[tilespmem:s3], [sflag:$0x1] =	stream.linear.gather [hbm4b:s22+s3], $0x28, $0x38;
	[tilespmem:$0x16180] =	vst v63  }
0x46: {  	_ =	swait.ge [sflag:s16], $0x28  }
0x47: {  	[sflag:s16] =	ssyncset.done $0x0  }
0x48: {  	[sflag:s16] =	ssyncadd.s32 $0xFFFFFFD8  }
0x49: {  	[tilespmem:s17], [sflag:$0x1] =	stream.linear.gather [hbm4b:s21+s3], $0x1400, $0x38;
	[tilespmem:$0x16180] =	vst v63  }
0x4a: {  	_ =	swait.ge [sflag:s16], $0x1400  }
0x4b: {  	[sflag:s16] =	ssyncset.done $0x0  }
0x4c: {  	[sflag:s16] =	ssyncadd.s32 $0xFFFFEC00  }
0x4d: {  	[spmem:s2] =	stream.indirect.scatter.add.f32 [tilespmem:s17], [sflag:$0x1], $0x80, s3, s18, $0xb8;
	[tilespmem:$0x16180] =	vst v63  }
0x4e: {  	_ =	swait.ge [sflag:s16], $0x1400  }
0x4f: {  	[sflag:s16] =	ssyncset.done $0x0  }
0x50: {  	[sflag:s16] =	ssyncadd.s32 $0xFFFFEC00  }
0x51: {  	[bflag:$0x0] =	sbarrier.arrive $0xFFFF  }
0x52: {  	[tilespmem:s19], [sflag:$0x1] =	stream.linear.gather [spmem:s12], $0xC00, $0x38;
	[tilespmem:$0x16180] =	vst v63  }
0x53: {  	_ =	swait.ge [sflag:s16], $0xC00  }
0x54: {  	[sflag:s16] =	ssyncset.done $0x0  }
0x55: {  	s31 =	sadd.s32 $0x0, s11;
	[sflag:s16] =	ssyncadd.s32 $0xFFFFF400  }
0x56: {  	[hbm4b:s31+s3] =	stream.linear.scatter [tilespmem:s19], [sflag:$0x1], $0xC00, $0x38;
	[tilespmem:$0x16180] =	vst v63  }
0x57: {  	_ =	swait.ge [sflag:s16], $0xC00  }
0x58: {  	s22 =	smov.u32 s12;
	s21 =	simm.s32 $0x180;
	[sflag:s16] =	ssyncset.done $0x0  }
.LBB2_8:
0x59: {  	p1 =	sne.s32 s21, $0x2580;
	[sflag:s16] =	ssyncadd.s32 $0xFFFFF400;
	s22 =	sadd.s32 $0xC00, s22  }
0x5a: {  	[tilespmem:s19], [sflag:$0x1] =	stream.linear.gather [spmem:s22], $0xC00, $0x38;
	[tilespmem:$0x16180] =	vst v63  }
0x5b: {  	s23 =	smov.u32 s21;
	s21 =	sadd.s32 $0x180, s21;
	_ =	swait.ge [sflag:s16], $0xC00  }
.Ltmp4:
0x5c: {  	[sflag:s16] =	ssyncset.done $0x0;
	(pc) =	sbr.rel @p1 .LBB2_8-.Ltmp4, $4  }
0x5d: {  	s23 =	sadd.s32 s23, s11;
	[sflag:s16] =	ssyncadd.s32 $0xFFFFF400  }
0x5e: {  	[hbm4b:s23+s3] =	stream.linear.scatter [tilespmem:s19], [sflag:$0x1], $0xC00, $0x38;
	[tilespmem:$0x16180] =	vst v63  }
0x5f: {  	_ =	swait.ge [sflag:s16], $0xC00  }
0x60: {  	[sflag:s16] =	ssyncset.done $0x0  }
0x61: {  	[sflag:s16] =	ssyncadd.s32 $0xFFFFF400;
	s21 =	simm.s32 @!p0 $0x1D00;
	s22 =	simm.s32 @!p0 $0x1  }
0x62: {  	[tilespmem:s21], [sflag:$0x1] =	stream.linear.gather @!p0 [spmem:s6], $0x800, $0x38;
	[tilespmem:$0x16180] =	vst v63  }
0x63: {  	s20 =	sadd.s32 $0x1, s20;
	_ =	swait.ge @!p0 [sflag:s22], $0x800  }
0x64: {  	p1 =	sne.s32 s20, s8;
	[sflag:s22] =	ssyncset.done @!p0 $0x0  }
.Ltmp5:
0x65: {  	s23 =	simm.s32 @!p0 $0x0;
	[sflag:s22] =	ssyncadd.s32 @!p0 $0xFFFFF800;
	(pc) =	sbr.rel @p1 .LBB2_1-.Ltmp5, $4  }
0x66: {  	[hbm4b:s7+s23] =	stream.linear.scatter @!p0 [tilespmem:s21], [sflag:$0x1], $0x800, $0x38;
	[tilespmem:$0x16180] =	vst v63  }
0x67: {  	_ =	swait.ge @!p0 [sflag:s22], $0x800  }
0x68: {  	[sflag:s22] =	ssyncset.done @!p0 $0x0  }
0x69: {  	[sflag:s22] =	ssyncadd.s32 @!p0 $0xFFFFF800  }
0x6a: {  	_ =	sfence.sel $0x180000  }
0x6b: {  	[bflag:$0x0] =	sbarrier.arrive $0xFFFF  }
0x6c: {  	p0 =	sne.s32 s1, $0x0;
	_ =	strace $0x90000047  }
0x6d: {  	s0 =	sadd.s32 @!p0 $0x100000, s0;
	[bflag:$0x2] =	sbarrier.arrive $0xFFFF  }
0x6e: {  	[sflag:s0] =	ssyncadd.tile.s32 @!p0 $0x1;
	_ =	shalt  }
.Lfunc_end2:
_tile_overlayer_lowered:
.L_overlay_start_2:
0x6f: {  	(tag) =	ssettag $0x2  }
0x70: {  	s0 =	rddreg [dreg:$0x0];
	s2 =	stileid.u32  }
0x71: {  	s1 =	rddreg [dreg:$0x1];
	p0 =	sne.s32 s2, $0x0  }
0x72: {  	s3 =	rddreg [dreg:$0x2];
	[bflag:$0x3] =	sbarrier.arrive $0xFFFF;
	s2 =	simm.s32 @!p0 $0x1C01  }
0x73: {  	[timem:s3], [sflag:s2] =	dma.local @!p0 [hbm:s0], s1  }
0x74: {  	s0 =	simm.s32 @!p0 $0x1  }
0x75: {  	_ =	swait.ge @!p0 [sflag:s0], s1  }
0x76: {  	s1 =	ssub.s32 @!p0 $0x0, s1;
	[sflag:s0] =	ssyncset.done @!p0 $0x0  }
0x77: {  	[sflag:s0] =	ssyncadd.s32 @!p0 s1  }
0x78: {  	[bflag:$0x3] =	sbarrier.arrive $0xFFFF  }
0x79: {  	_ =	shalt  }

// kernel: kernel.8.cloned.1.call-start
scs
__scs_entry_jumppad:
0x0: {  	(pc) =	sbr.rel $0x88, $3  }
0x1: {  	(tag) =	ssettag $0x0;
	lr =	simm.s32 $0x1  }
0x2: {  	[smem:$0x3F9C] =	sst lr;
	_ =	strace $0xD0000000  }
0x3: {  	_ = 	snop  }
0x4: {  	_ = 	snop  }
0x5: {  	_ = 	snop  }
0x6: {  	_ = 	snop  }
0x7: {  	_ = 	snop  }
__scs_overlays_trampoline_lowered:
0x8: {  	[smem:$0x3FAB] =	sst s0  }
0x9: {  	[smem:$0x3FAC] =	sst s1  }
0xa: {  	[smem:$0x3FAD] =	sst s2  }
0xb: {  	[smem:$0x3FAE] =	sst s3  }
0xc: {  	[smem:$0x3FAF] =	sst s4  }
0xd: {  	[smem:$0x3FB0] =	sst s5  }
0xe: {  	[smem:$0x3FB1] =	sst s6  }
0xf: {  	[smem:$0x3FB2] =	sst s7  }
0x10: {  	[smem:$0x3FB3] =	sst s8  }
0x11: {  	[smem:$0x3FB4] =	sst s9;
	s0 =	simm.s32 @!p0 $0x0  }
0x12: {  	s1 =	sld [smem:$0x3F9A];
	s0 =	simm.s32 @p0 $0x1  }
0x13: {  	[smem:$0x3FB5] =	sst s0;
	s0 =	simm.s32 @!p1 $0x0  }
0x14: {  	s2 =	sld [smem:$0x3F99];
	s0 =	simm.s32 @p1 $0x1  }
0x15: {  	[smem:$0x3FB6] =	sst s0;
	s0 =	simm.s32 @!p2 $0x0  }
0x16: {  	s3 =	sld [smem:$0x3FDB];
	s0 =	simm.s32 @p2 $0x1  }
0x17: {  	s4 =	simm.s32 $0x1BF5;
	[smem:$0x3FB8] =	sst s0  }
0x18: {  	s0 =	sld [smem:$0x3F9B];
	_ =	swait.ge [sflag:s4], $0x0  }
0x19: {  	s7 =	sld [smem:$0x3F9C]  }
0x1a: {  	s8 =	sadd.s32 $0xFFFFE003, lr  }
0x1b: {  	s9 =	sadd.s32 $0xFFFFFEF7, lr;
	s5 =	simm.s32 $0xFFFFFFFF;
	p2 =	slt.u32 s8, $0xFFFFF086  }
0x1c: {  	p1 =	slt.u32 s9, $0xF7A;
	s5 =	simm.s32 @!p2 $0x0  }
0x1d: {  	s5 =	simm.s32 @p1 $0x1;
	p0 =	seq.s32 s7, s2  }
0x1e: {  	s7 =	smul.u32 @!p0 $0xF7A, s2;
	p2 =	seq.s32 @!p0 s5, $0x0  }
0x1f: {  	s9 =	smul.u32 $0xF7A, s1;
	s8 =	simm.s32 @!p0 $0x1BF5;
	p2 =	por !p2, p0  }
0x20: {  	[sflag:s8] =	ssyncset.s32 @!p0 $0xFFFFF086;
	s6 =	sadd.s32 @!p0 s3, s7;
	s7 =	simm.s32 @!p0 $0x108  }
0x21: {  	s3 =	sadd.s32 s3, s9;
	s6 =	sadd.s32 @!p0 $0x88, s6;
	s7 =	simm.s32 @p2 $0x1082  }
0x22: {  	[simem:s7], [sflag:s8] =	dma.local @!p0 [hbm:s6], $0xF7A  }
0x23: {  	s9 =	sor.u32 $0xD0000000, s2;
	s6 =	simm.s32 $0x108;
	_ =	swait.ge @!p0 [sflag:s8], $0x0  }
0x24: {  	s3 =	sadd.s32 $0x88, s3;
	s6 =	simm.s32 @!p1 $0x1082;
	[sflag:s4] =	ssyncset.s32 $0xFFFFF086  }
0x25: {  	[simem:s6], [sflag:s4] =	dma.local [hbm:s3], $0xF7A  }
0x26: {  	[smem:$0x3F9C] =	sst s1;
	(tag) =	ssettag s2;
	_ =	strace s9  }
0x27: {  	s1 =	sld [smem:$0x3FAC]  }
0x28: {  	s2 =	sld [smem:$0x3FAD]  }
0x29: {  	s4 =	sld [smem:$0x3FAF]  }
0x2a: {  	p0 =	seq.s32 s5, $0x0;
	s5 =	sld [smem:$0x3FB0]  }
0x2b: {  	s6 =	sld [smem:$0x3FB1]  }
0x2c: {  	s7 =	sld [smem:$0x3FB2]  }
0x2d: {  	s3 =	simm.s32 $0x108;
	s8 =	sld [smem:$0x3FB3]  }
0x2e: {  	s3 =	simm.s32 @!p0 $0x1082;
	s9 =	sld [smem:$0x3FB4]  }
0x2f: {  	lr =	sadd.s32 s0, s3;
	s0 =	sld [smem:$0x3FAB]  }
0x30: {  	s3 =	sld [smem:$0x3FAE]  }
0x31: {  	[smem:$0x3FB7] =	sst s10  }
0x32: {  	s10 =	sld [smem:$0x3FB5];
	_ =	sdelay $0x3  }
0x33: {  	p0 =	seq.s32 s10, $0x1;
	s10 =	sld [smem:$0x3FB7];
	_ =	sdelay $0x3  }
0x34: {  	[smem:$0x3FB7] =	sst s10  }
0x35: {  	s10 =	sld [smem:$0x3FB6];
	_ =	sdelay $0x3  }
0x36: {  	p1 =	seq.s32 s10, $0x1;
	s10 =	sld [smem:$0x3FB7];
	_ =	sdelay $0x3  }
0x37: {  	[smem:$0x3FB7] =	sst s10  }
0x38: {  	s10 =	sld [smem:$0x3FB8]  }
0x39: {  	_ = 	snop;
	(pc) =	sbr.ind lr, $3  }
0x3a: {  	_ = 	snop  }
0x3b: {  	_ = 	snop  }
0x3c: {  	p2 =	seq.s32 s10, $0x1;
	s10 =	sld [smem:$0x3FB7]  }
0x3d: {  	_ =	shalt  }
0x3e: {  	_ =	shalt  }
0x3f: {  	_ =	shalt  }
0x40: {  	_ =	shalt  }
0x41: {  	_ =	shalt  }
0x42: {  	_ =	shalt  }
0x43: {  	_ =	shalt  }
0x44: {  	_ =	shalt  }
0x45: {  	_ =	shalt  }
0x46: {  	_ =	shalt  }
0x47: {  	_ =	shalt  }
0x48: {  	_ =	shalt  }
0x49: {  	_ =	shalt  }
0x4a: {  	_ =	shalt  }
0x4b: {  	_ =	shalt  }
0x4c: {  	_ =	shalt  }
0x4d: {  	_ =	shalt  }
0x4e: {  	_ =	shalt  }
0x4f: {  	_ =	shalt  }
0x50: {  	_ =	shalt  }
0x51: {  	_ =	shalt  }
0x52: {  	_ =	shalt  }
0x53: {  	_ =	shalt  }
0x54: {  	_ =	shalt  }
0x55: {  	_ =	shalt  }
0x56: {  	_ =	shalt  }
0x57: {  	_ =	shalt  }
0x58: {  	_ =	shalt  }
0x59: {  	_ =	shalt  }
0x5a: {  	_ =	shalt  }
0x5b: {  	_ =	shalt  }
0x5c: {  	_ =	shalt  }
0x5d: {  	_ =	shalt  }
0x5e: {  	_ =	shalt  }
0x5f: {  	_ =	shalt  }
0x60: {  	_ =	shalt  }
0x61: {  	_ =	shalt  }
0x62: {  	_ =	shalt  }
0x63: {  	_ =	shalt  }
0x64: {  	_ =	shalt  }
0x65: {  	_ =	shalt  }
0x66: {  	_ =	shalt  }
0x67: {  	_ =	shalt  }
0x68: {  	_ =	shalt  }
0x69: {  	_ =	shalt  }
0x6a: {  	_ =	shalt  }
0x6b: {  	_ =	shalt  }
0x6c: {  	_ =	shalt  }
0x6d: {  	_ =	shalt  }
0x6e: {  	_ =	shalt  }
0x6f: {  	_ =	shalt  }
0x70: {  	_ =	shalt  }
0x71: {  	_ =	shalt  }
0x72: {  	_ =	shalt  }
0x73: {  	_ =	shalt  }
0x74: {  	_ =	shalt  }
0x75: {  	_ =	shalt  }
0x76: {  	_ =	shalt  }
0x77: {  	_ =	shalt  }
0x78: {  	_ =	shalt  }
0x79: {  	_ =	shalt  }
0x7a: {  	_ =	shalt  }
0x7b: {  	_ =	shalt  }
0x7c: {  	_ =	shalt  }
0x7d: {  	_ =	shalt  }
0x7e: {  	_ =	shalt  }
0x7f: {  	_ =	shalt  }
0x80: {  	_ =	shalt  }
0x81: {  	_ =	shalt  }
0x82: {  	_ =	shalt  }
0x83: {  	_ =	shalt  }
0x84: {  	_ =	shalt  }
0x85: {  	_ =	shalt  }
0x86: {  	_ =	shalt  }
0x87: {  	_ =	shalt  }
.Lfunc_end0:
.L_simem_size_0:
called_computation.1_lowered:
.L_overlay_start_0:
0x88: {  	s2 =	sld [smem:$0x3FD9]  }
0x89: {  	s3 =	sld [smem:$0x3FFE];
	_ =	sdelay $0x1  }
0x8a: {  	s1 =	srdreg.scid  }
0x8b: {  	s0 =	sand.u32 $0x1, s1  }
0x8c: {  	s17 =	sshll.u32 s0, $0xA;
	s2 =	sadd.s32 s3, s2  }
0x8d: {  	s2 =	sadd.s32 s2, s17  }
0x8e: {  	[smem:$0x3FC3] =	sst s2  }
0x8f: {  	_ = 	snop  }
0x90: {  	s18 =	sld [smem:$0x3FC7];
	(tm) =	ssettm $0x1  }
0x91: {  	s19 =	sld [smem:$0x3FFB];
	_ =	sdelay $0x3  }
0x92: {  	_ =	strace s19  }
0x93: {  	s2 =	sld [smem:$0x3FFC];
	_ =	sdelay $0x3  }
0x94: {  	_ =	strace s2  }
0x95: {  	s2 =	sld [smem:$0x3FFD];
	_ =	sdelay $0x3  }
0x96: {  	_ =	strace s2  }
0x97: {  	_ =	strace $0x8FFFFFFF  }
0x98: {  	s20 =	sld [smem:$0x3FDB];
	_ =	sdelay $0x1  }
0x99: {  	s4 =	simm.s32 $_scs_section_size  }
0x9a: {  	s5 =	simm.s32 $_size__tile_overlayer_lowered;
	s6 =	simm.s32 $_tile_overlayer_lowered  }
0x9b: {  	s7 =	simm.s32 $0x1BFF;
	s21 =	sshll.u32 s6, $0x1;
	s4 =	sadd.s32 s4, s20  }
0x9c: {  	s22 =	simm.s32 $0x0;
	s5 =	sshll.u32 s5, $0x1;
	s6 =	sadd.s32 s21, s4  }
0x9d: {  	[timem:s22], [sflag:s7] =	dma.local [hbm:s6], s5  }
0x9e: {  	_ =	swait.ge [sflag:s7], s5  }
0x9f: {  	s5 =	ssub.s32 $0x0, s5;
	[sflag:s7] =	ssyncset.done $0x0  }
0xa0: {  	[sflag:s7] =	ssyncadd.s32 s5;
	_ =	sdelay $0x1  }
0xa1: {  	s23 =	simm.s32 $0x1B8B  }
0xa2: {  	_ =	swait.ge [sflag:s23], $0x1  }
0xa3: {  	[sflag:s23] =	ssyncset.done $0x0  }
0xa4: {  	[sflag:s23] =	ssyncadd.s32 $0xFFFFFFFF  }
0xa5: {  	s5 =	sld [smem:$0x0]  }
0xa6: {  	s6 =	sand.u32 $0xFFFFFFFE, s1  }
0xa7: {  	p0 =	sne.s32 s1, s6  }
0xa8: {  	s6 =	sshll.u32 @p0 s6, $0xE  }
0xa9: {  	s6 =	sadd.s32 @p0 $0x11B8D, s6;
	s7 =	sshll.u32 @p0 s5, $0x11  }
0xaa: {  	s6 =	sor.u32 @p0 s7, s6  }
0xab: {  	[sflag:s6] =	ssyncadd.remote.s32 @p0 $0x1;
	_ =	sdelay $0x1  }
0xac: {  	s6 =	simm.s32 @p0 $0x1B8D  }
0xad: {  	_ =	swait.eq @p0 [sflag:s6], $0x1  }
0xae: {  	[sflag:s6] =	ssyncadd.s32 @p0 $0xFFFFFFFF  }
0xaf: {  	s7 =	sshll.u32 @!p0 s1, $0xE  }
0xb0: {  	s7 =	sor.u32 @!p0 $0x4000, s7;
	s6 =	simm.s32 @!p0 $0x1B8D  }
0xb1: {  	s5 =	sshll.u32 @!p0 s5, $0x11;
	s7 =	sadd.s32 @!p0 $0x11B8D, s7;
	_ =	swait.eq @!p0 [sflag:s6], $0x1  }
0xb2: {  	s5 =	sor.u32 @!p0 s5, s7;
	[sflag:s6] =	ssyncadd.s32 @!p0 $0xFFFFFFFF  }
0xb3: {  	s25 =	simm.s32 $0x1B8E;
	s24 =	sld [smem:$0x3FFE];
	[sflag:s5] =	ssyncadd.remote.s32 @!p0 $0x1  }
0xb4: {  	s26 =	simm.s32 $execute0_lowered;
	[smem:$0x3FD2] =	sst s25  }
0xb5: {  	s6 =	sshll.u32 s26, $0x1;
	_ =	strace $0x80000049;
	[dreg:$0x1] =	wrdreg $0xFFFFFFFF  }
0xb6: {  	s28 =	simm.s32 $_size_execute0_lowered;
	s4 =	sadd.s32 s4, s6;
	[dreg:$0x0] =	wrdreg $0x0  }
0xb7: {  	s6 =	sshll.u32 s28, $0x1;
	[dreg:$0x2] =	wrdreg s4  }
0xb8: {  	[dreg:$0x3] =	wrdreg s6  }
0xb9: {  	[dreg:$0x4] =	wrdreg $0xC0  }
0xba: {  	_ =	task [dreg:s22], $0x5FFFF  }
0xbb: {  	[dreg:$0x1] =	wrdreg $0xFFFFFFFF  }
0xbc: {  	[dreg:$0x0] =	wrdreg $0x60  }
0xbd: {  	[dreg:$0x2] =	wrdreg s18  }
0xbe: {  	[dreg:$0x3] =	wrdreg s24  }
0xbf: {  	[dreg:$0x4] =	wrdreg $0x29000  }
0xc0: {  	[dreg:$0x5] =	wrdreg $0xA  }
0xc1: {  	_ =	task.clear_ibuf [dreg:s22], $0x6FFFF;
	_ =	strace $0x90000049  }
0xc2: {  	s29 =	simm.s32 $0xA;
	_ =	strace $0x8000004B  }
0xc3: {  	_ =	swait.ge [sflag:s29], $0x1  }
0xc4: {  	[sflag:s29] =	ssyncadd.s32 $0xFFFFFFFF  }
0xc5: {  	_ =	strace $0x9000004B  }
0xc6: {  	_ =	sfence  }
0xc7: {  	s30 =	sld [smem:$0x0];
	_ =	sdelay $0x2  }
0xc8: {  	s31 =	sshll.u32 s1, $0xD;
	s1 =	sshrl.u32 s1, $0x2  }
0xc9: {  	s4 =	sand.u32 $0x4000, s31;
	s1 =	sadd.s32 s1, s30  }
0xca: {  	s0 =	sor.u32 s4, s0;
	s1 =	sshll.u32 s1, $0x11  }
0xcb: {  	s0 =	sor.u32 s1, s0  }
0xcc: {  	s0 =	sadd.s32 $0x8F2B, s0  }
0xcd: {  	[sflag:s0] =	ssyncadd.remote.s32 $0x1  }
0xce: {  	_ =	sfence.sel $0xFFFF  }
0xcf: {  	[dreg:$0x0] =	wrdreg $0xFFFFFFFF;
	(pc) =	sbr.abs _section_cstart, $3  }
0xd0: {  	[dreg:$0x1] =	wrdreg $0xFFFFFFFF  }
0xd1: {  	_ =	task.clear_ibuf [dreg:s22], $0x2FFFF;
	_ =	strace $0x9FFFFFFF  }
0xd2: {  	(tm) =	ssettm $0x7FFFFFFF  }
0xd3: {  	_ =	shalt  }
tec
execute0_lowered:
.L_overlay_start_1:
0x0: {  	(tag) =	ssettag $0x1  }
0x1: {  	s9 =	rddreg [dreg:$0x0]  }
0x2: {  	s5 =	rddreg [dreg:$0x1]  }
0x3: {  	s1 =	rddreg [dreg:$0x2]  }
0x4: {  	s0 =	rddreg [dreg:$0x3]  }
0x5: {  	s4 =	srdreg.scid;
	s2 =	stileid.u32  }
0x6: {  	s3 =	simm.s32 $0x0;
	s6 =	sand.u32 $0x1, s4;
	s4 =	smul.u32 $0x280, s2  }
0x7: {  	s16 =	simm.s32 $0x28;
	s17 =	simm.s32 $0x80;
	s13 =	smul.u32 $0x2710, s2  }
0x8: {  	s18 =	simm.s32 $0x1D00;
	s19 =	simm.s32 $0x0;
	s14 =	smul.u32 $0x13800, s2  }
0x9: {  	[smem:$0x7FF] =	sst s3;
	s10 =	sadd.s32 $0x4F200, s5;
	s15 =	smul.u32 $0x4E000, s2  }
0xa: {  	p0 =	seq.s32 s2, $0xF;
	s5 =	simm.s32 $0x19;
	s11 =	smul.u32 $0x138800, s6  }
0xb: {  	_ =	strace $0x8000004A;
	s7 =	ssub.s32 $0x2, s6;
	s12 =	smul.u32 $0x27100, s6  }
0xc: {  	s5 =	simm.s32 @!p0 $0x28;
	s6 =	sadd.s32 $0x138000, s1;
	p0 =	sne.s32 s2, $0xF  }
0xd: {  	s28 =	sshrl.u32 s7, $0x1;
	s31 =	sshrl.u32 s15, $0x2;
	s15 =	simm.s32 $0x1  }
0xe: {  	s8 =	ssub.s32 s7, s28;
	s29 =	sshrl.u32 s11, $0x3;
	s12 =	sadd.s32 s13, s12  }
0xf: {  	s11 =	sadd.s32 s14, s11;
	s13 =	simm.s32 $0x1C80;
	s14 =	simm.s32 $0x1480  }
0x10: {  	s30 =	sadd.s32 s10, s29;
	s8 =	smax.u32 s8, $0x1;
	s12 =	sshrl.u32 s12, $0x3  }
0x11: {  	s11 =	sshrl.u32 s11, $0x3;
	s7 =	sadd.s32 $0x27000, s30;
	s9 =	sadd.s32 s12, s9  }
0x12: {  	v0 =	vimm.f32 $0.0e+00;
	v1 =	vimm.f32 $1.000000000e+00;
	v2 =	vlaneseq.u32;
	s10 =	sadd.s32 s11, s10;
	s11 =	sadd.s32 s31, s1;
	s12 =	simm.s32 $0x10  }
.LBB2_1:
0x13: {  	s20 =	simm.s32 $0x0;
	s21 =	simm.s32 $0x0  }
.LBB2_2:
0x14: {  	p1 =	sne.s32 s21, $0x1FC0  }
.Ltmp0:
0x15: {  	_ = 	snop;
	(pc) =	sbr.rel @p1 .LBB2_2-.Ltmp0, $4  }
0x16: {  	s22 =	sand.u32 $0x1E00, s21  }
0x17: {  	s23 =	sand.u32 $0x70, s20;
	s22 =	sshrl.u32 s22, $0x2  }
0x18: {  	s22 =	sor.u32 s23, s22  }
0x19: {  	s20 =	sadd.s32 $0x10, s20;
	s21 =	sadd.s32 $0x40, s21;
	[tilespmem:s22+$0x1480] =	vst v0  }
0x1a: {  	s20 =	simm.s32 $0x0  }
0x1b: {  	s21 =	sand.u32 $0x7E00, s20  }
0x1c: {  	s22 =	sand.u32 $0x70, s20;
	s23 =	sshrl.u32 s21, $0x2  }
0x1d: {  	s21 =	simm.s32 $0x40;
	s22 =	sor.u32 s22, s23  }
.LBB2_4:
0x1e: {  	p1 =	sne.s32 s21, $0x4FC0  }
0x1f: {  	[tilespmem:s22+$0x80] =	vst v1;
	s20 =	sadd.s32 $0x10, s20;
	s22 =	smov.u32 s21;
	s21 =	sadd.s32 $0x40, s21  }
.Ltmp1:
0x20: {  	(pc) =	sbr.rel @p1 .LBB2_4-.Ltmp1, $4  }
0x21: {  	_ = 	snop  }
0x22: {  	s22 =	sand.u32 $0x7E00, s22  }
0x23: {  	s23 =	sand.u32 $0x70, s20;
	s22 =	sshrl.u32 s22, $0x2  }
0x24: {  	s22 =	sor.u32 s23, s22  }
0x25: {  	p1 =	sne.s32 s5, $0x1  }
.Ltmp2:
0x26: {  	[tilespmem:s22+$0x80] =	vst v1;
	v3 =	vor.u32 s4, v2;
	(pc) =	sbr.rel @!p1 .LBB2_7-.Ltmp2, $4  }
0x27: {  	[tilespmem:$0x1C80] =	vst v3  }
0x28: {  	[spmem:s1] =	stream.indirect.scatter [tilespmem:s14], [sflag:$0x1], $0x80, s13, s12, $0xb8;
	[tilespmem:$0x16180] =	vst v63  }
0x29: {  	_ =	swait.ge [sflag:s15], $0x800  }
0x2a: {  	s20 =	sadd.s32 $0xFFFFFFFF, s5;
	s21 =	sadd.s32 $0x10, s4;
	[sflag:s15] =	ssyncset.done $0x0  }
.LBB2_6:
0x2b: {  	v3 =	vor.u32 s21, v2;
	[sflag:s15] =	ssyncadd.s32 $0xFFFFF800;
	p1 =	sne.s32 s20, $0x1  }
.Ltmp3:
0x2c: {  	[tilespmem:$0x1C80] =	vst v3;
	(pc) =	sbr.rel @p1 .LBB2_6-.Ltmp3, $4  }
0x2d: {  	[spmem:s1] =	stream.indirect.scatter [tilespmem:s14], [sflag:$0x1], $0x80, s13, s12, $0xb8;
	[tilespmem:$0x16180] =	vst v63  }
0x2e: {  	s20 =	sadd.s32 $0xFFFFFFFF, s20  }
0x2f: {  	_ =	swait.ge [sflag:s15], $0x800  }
0x30: {  	s21 =	sadd.s32 $0x10, s21;
	[sflag:s15] =	ssyncset.done $0x0  }
.LBB2_7:
0x31: {  	[sflag:s15] =	ssyncadd.s32 $0xFFFFF800  }
0x32: {  	s20 =	sadd.s32 $0x0, s9;
	[bflag:$0x0] =	sbarrier.arrive $0xFFFF  }
0x33: {  	[tilespmem:s3], [sflag:$0x1] =	stream.linear.gather [hbm4b:s20+s3], $0x28, $0x38;
	[tilespmem:$0x16180] =	vst v63  }
0x34: {  	_ =	swait.ge [sflag:s15], $0x28  }
0x35: {  	[sflag:s15] =	ssyncset.done $0x0  }
0x36: {  	[sflag:s15] =	ssyncadd.s32 $0xFFFFFFD8  }
0x37: {  	[spmem:s1] =	stream.indirect.scatter.add.f32 [tilespmem:s17], [sflag:$0x1], $0x80, s3, s16, $0xb8;
	[tilespmem:$0x16180] =	vst v63  }
0x38: {  	_ =	swait.ge [sflag:s15], $0x1400  }
0x39: {  	s21 =	simm.s32 $0xA;
	s20 =	simm.s32 $0x5;
	[sflag:s15] =	ssyncset.done $0x0  }
.LBB2_8:
0x3a: {  	s22 =	sadd.s32 s20, s9  }
0x3b: {  	[sflag:s15] =	ssyncadd.s32 $0xFFFFEC00;
	s20 =	smov.u32 s21;
	s23 =	sadd.s32 $0x5, s21  }
0x3c: {  	[tilespmem:s3], [sflag:$0x1] =	stream.linear.gather [hbm4b:s22+s3], $0x28, $0x38;
	[tilespmem:$0x16180] =	vst v63  }
0x3d: {  	p1 =	sne.s32 s21, $0x4DD;
	_ =	swait.ge [sflag:s15], $0x28  }
.Ltmp4:
0x3e: {  	[sflag:s15] =	ssyncset.done $0x0;
	(pc) =	sbr.rel @p1 .LBB2_8-.Ltmp4, $4  }
0x3f: {  	[sflag:s15] =	ssyncadd.s32 $0xFFFFFFD8  }
0x40: {  	[spmem:s1] =	stream.indirect.scatter.add.f32 [tilespmem:s17], [sflag:$0x1], $0x80, s3, s16, $0xb8;
	[tilespmem:$0x16180] =	vst v63  }
0x41: {  	_ =	swait.ge [sflag:s15], $0x1400  }
0x42: {  	s21 =	smov.u32 s23;
	[sflag:s15] =	ssyncset.done $0x0  }
0x43: {  	s20 =	sadd.s32 s20, s9;
	[sflag:s15] =	ssyncadd.s32 $0xFFFFEC00  }
0x44: {  	[tilespmem:s3], [sflag:$0x1] =	stream.linear.gather [hbm4b:s20+s3], $0x28, $0x38;
	[tilespmem:$0x16180] =	vst v63  }
0x45: {  	_ =	swait.ge [sflag:s15], $0x28  }
0x46: {  	[sflag:s15] =	ssyncset.done $0x0  }
0x47: {  	[sflag:s15] =	ssyncadd.s32 $0xFFFFFFD8  }
0x48: {  	[spmem:s1] =	stream.indirect.scatter.add.f32 [tilespmem:s17], [sflag:$0x1], $0x80, s3, s16, $0xb8;
	[tilespmem:$0x16180] =	vst v63  }
0x49: {  	_ =	swait.ge [sflag:s15], $0x1400  }
0x4a: {  	[sflag:s15] =	ssyncset.done $0x0  }
0x4b: {  	[sflag:s15] =	ssyncadd.s32 $0xFFFFEC00  }
0x4c: {  	[bflag:$0x0] =	sbarrier.arrive $0xFFFF  }
0x4d: {  	[tilespmem:s18], [sflag:$0x1] =	stream.linear.gather [spmem:s11], $0xC00, $0x38;
	[tilespmem:$0x16180] =	vst v63  }
0x4e: {  	_ =	swait.ge [sflag:s15], $0xC00  }
0x4f: {  	[sflag:s15] =	ssyncset.done $0x0  }
0x50: {  	s31 =	sadd.s32 $0x0, s10;
	[sflag:s15] =	ssyncadd.s32 $0xFFFFF400  }
0x51: {  	[hbm4b:s31+s3] =	stream.linear.scatter [tilespmem:s18], [sflag:$0x1], $0xC00, $0x38;
	[tilespmem:$0x16180] =	vst v63  }
0x52: {  	_ =	swait.ge [sflag:s15], $0xC00  }
0x53: {  	s21 =	smov.u32 s11;
	s20 =	simm.s32 $0x180;
	[sflag:s15] =	ssyncset.done $0x0  }
.LBB2_10:
0x54: {  	p1 =	sne.s32 s20, $0x2580;
	[sflag:s15] =	ssyncadd.s32 $0xFFFFF400;
	s21 =	sadd.s32 $0xC00, s21  }
0x55: {  	[tilespmem:s18], [sflag:$0x1] =	stream.linear.gather [spmem:s21], $0xC00, $0x38;
	[tilespmem:$0x16180] =	vst v63  }
0x56: {  	s22 =	smov.u32 s20;
	s20 =	sadd.s32 $0x180, s20;
	_ =	swait.ge [sflag:s15], $0xC00  }
.Ltmp5:
0x57: {  	[sflag:s15] =	ssyncset.done $0x0;
	(pc) =	sbr.rel @p1 .LBB2_10-.Ltmp5, $4  }
0x58: {  	s22 =	sadd.s32 s22, s10;
	[sflag:s15] =	ssyncadd.s32 $0xFFFFF400  }
0x59: {  	[hbm4b:s22+s3] =	stream.linear.scatter [tilespmem:s18], [sflag:$0x1], $0xC00, $0x38;
	[tilespmem:$0x16180] =	vst v63  }
0x5a: {  	_ =	swait.ge [sflag:s15], $0xC00  }
0x5b: {  	[sflag:s15] =	ssyncset.done $0x0  }
0x5c: {  	[sflag:s15] =	ssyncadd.s32 $0xFFFFF400;
	s20 =	simm.s32 @!p0 $0x1D00;
	s21 =	simm.s32 @!p0 $0x1  }
0x5d: {  	[tilespmem:s20], [sflag:$0x1] =	stream.linear.gather @!p0 [spmem:s6], $0x800, $0x38;
	[tilespmem:$0x16180] =	vst v63  }
0x5e: {  	s19 =	sadd.s32 $0x1, s19;
	_ =	swait.ge @!p0 [sflag:s21], $0x800  }
0x5f: {  	p1 =	sne.s32 s19, s8;
	[sflag:s21] =	ssyncset.done @!p0 $0x0  }
.Ltmp6:
0x60: {  	s22 =	simm.s32 @!p0 $0x0;
	[sflag:s21] =	ssyncadd.s32 @!p0 $0xFFFFF800;
	(pc) =	sbr.rel @p1 .LBB2_1-.Ltmp6, $4  }
0x61: {  	[hbm4b:s7+s22] =	stream.linear.scatter @!p0 [tilespmem:s20], [sflag:$0x1], $0x800, $0x38;
	[tilespmem:$0x16180] =	vst v63  }
0x62: {  	_ =	swait.ge @!p0 [sflag:s21], $0x800  }
0x63: {  	[sflag:s21] =	ssyncset.done @!p0 $0x0  }
0x64: {  	[sflag:s21] =	ssyncadd.s32 @!p0 $0xFFFFF800  }
0x65: {  	_ =	sfence.sel $0x180000  }
0x66: {  	[bflag:$0x0] =	sbarrier.arrive $0xFFFF  }
0x67: {  	p0 =	sne.s32 s2, $0x0;
	_ =	strace $0x9000004A  }
0x68: {  	s0 =	sadd.s32 @!p0 $0x100000, s0;
	[bflag:$0x2] =	sbarrier.arrive $0xFFFF  }
0x69: {  	[sflag:s0] =	ssyncadd.tile.s32 @!p0 $0x1;
	_ =	shalt  }
.Lfunc_end2:
_tile_overlayer_lowered:
.L_overlay_start_2:
0x6a: {  	(tag) =	ssettag $0x2  }
0x6b: {  	s0 =	rddreg [dreg:$0x0];
	s2 =	stileid.u32  }
0x6c: {  	s1 =	rddreg [dreg:$0x1];
	p0 =	sne.s32 s2, $0x0  }
0x6d: {  	s3 =	rddreg [dreg:$0x2];
	[bflag:$0x3] =	sbarrier.arrive $0xFFFF;
	s2 =	simm.s32 @!p0 $0x1C01  }
0x6e: {  	[timem:s3], [sflag:s2] =	dma.local @!p0 [hbm:s0], s1  }
0x6f: {  	s0 =	simm.s32 @!p0 $0x1  }
0x70: {  	_ =	swait.ge @!p0 [sflag:s0], s1  }
0x71: {  	s1 =	ssub.s32 @!p0 $0x0, s1;
	[sflag:s0] =	ssyncset.done @!p0 $0x0  }
0x72: {  	[sflag:s0] =	ssyncadd.s32 @!p0 s1  }
0x73: {  	[bflag:$0x3] =	sbarrier.arrive $0xFFFF  }
0x74: {  	_ =	shalt  }

</sc_bundles>
